<compile_context>
chip_gen: v7x
topology: tpu7x:2x2x1
jax: 0.10.2.dev20260603
libtpu: 0.0.44.dev20260713+nightly
codegen_flags: <defaults>
</compile_context>

<pallas_src>
import functools

import jax
import jax.numpy as jnp
from jax import lax
from jax.experimental import pallas as pl
from jax.experimental.pallas import tpu as pltpu
from jax.experimental.pallas import tpu_sc as plsc

NC = 2
NS = 16
EC = 80



CH = 128
NB = 2


def _sc_degree(dst_p, n_pad):
    ept = dst_p.shape[0] // (NC * NS)
    cpt = ept // CH
    assert cpt % NB == 0
    rpt = n_pad // NS
    mesh = plsc.VectorSubcoreMesh(core_axis_name="c", subcore_axis_name="s")

    @functools.partial(
        pl.kernel, mesh=mesh,
        out_type=jax.ShapeDtypeStruct((NC * n_pad,), jnp.float32),
        scratch_types=[
            [pltpu.VMEM((CH,), jnp.int32)] * NB,
            pltpu.VMEM((CH,), jnp.float32),
            pltpu.VMEM((rpt,), jnp.float32),
            pltpu.VMEM_SHARED((n_pad,), jnp.float32),
            [pltpu.SemaphoreType.DMA] * NB,
            [pltpu.SemaphoreType.DMA] * NB,
        ],
    )
    def k(dst_hbm, out_hbm, didx, ones_v, stage_v, acc_s, isem, ssem):
        c = lax.axis_index("c")
        s = lax.axis_index("s")
        base0 = (c * NS + s) * ept
        for j in range(CH // 16):
            ones_v[pl.ds(j * 16, 16)] = jnp.ones((16,), jnp.float32)

        def zloop(j, carry):
            stage_v[pl.ds(j * 16, 16)] = jnp.zeros((16,), jnp.float32)
            return carry

        lax.fori_loop(0, rpt // 16, zloop, 0)
        pltpu.sync_copy(stage_v, acc_s.at[pl.ds(s * rpt, rpt)])
        plsc.subcore_barrier()
        for b in range(NB - 1):
            pltpu.async_copy(dst_hbm.at[pl.ds(base0 + b * CH, CH)],
                             didx[b], isem[b])

        def visit(io, carry):
            for u in range(NB):
                j = io * NB + u
                bp = (u - 1) % NB
                pltpu.make_async_copy(dst_hbm.at[pl.ds(0, CH)],
                                      didx[u], isem[u]).wait()
                pltpu.async_copy(ones_v, acc_s.at[didx[u]], ssem[u], add=True)
                wait_prev = pltpu.make_async_copy(
                    out_hbm.at[pl.ds(0, CH)], ones_v, ssem[bp]).wait
                if u == 0:
                    pl.when(j >= 1)(wait_prev)
                else:
                    wait_prev()

                @pl.when(j + NB - 1 < cpt)
                def _():
                    pltpu.async_copy(
                        dst_hbm.at[pl.ds(base0 + (j + NB - 1) * CH, CH)],
                        didx[bp], isem[bp])
            return carry

        lax.fori_loop(0, cpt // NB, visit, 0)
        pltpu.make_async_copy(out_hbm.at[pl.ds(0, CH)], ones_v,
                              ssem[(cpt - 1) % NB]).wait()
        plsc.subcore_barrier()
        pltpu.sync_copy(acc_s.at[pl.ds(s * rpt, rpt)], stage_v)
        pltpu.sync_copy(stage_v, out_hbm.at[pl.ds(c * n_pad + s * rpt, rpt)])

    return k(dst_p)


EC = 80


def _sc_scatter(g, e3, zeros_nh):
    N, H = g.shape
    nct = e3.shape[0]
    n_chunks = nct // (NC * NS)
    half = (n_chunks - 1) // 2
    rpt = (N // (NS * 8)) * 8
    tail = N - NS * rpt
    mesh = plsc.VectorSubcoreMesh(core_axis_name="c", subcore_axis_name="s")

    @functools.partial(
        pl.kernel, mesh=mesh,
        out_type=jax.ShapeDtypeStruct((NC, N, H), jnp.float32),
        scratch_types=[
            [pltpu.VMEM((2, EC), jnp.int32)] * 2,
            [pltpu.VMEM((EC, H), jnp.float32)] * 2,
            pltpu.VMEM_SHARED((N, H), jnp.float32),
            [pltpu.SemaphoreType.DMA] * 2,
        ],
    )
    def k(g_hbm, e3_hbm, zeros_hbm, out_hbm, eidx, rows, acc_s, gsem):
        c = lax.axis_index("c")
        s = lax.axis_index("s")
        pltpu.sync_copy(zeros_hbm.at[pl.ds(s * rpt, rpt)],
                        acc_s.at[pl.ds(s * rpt, rpt)])

        @pl.when(s == NS - 1)
        def _():
            pltpu.sync_copy(zeros_hbm.at[pl.ds(NS * rpt, tail)],
                            acc_s.at[pl.ds(NS * rpt, tail)])

        plsc.subcore_barrier()
        gbase = (c * NS + s) * n_chunks
        pltpu.sync_copy(e3_hbm.at[gbase], eidx[0])
        pltpu.async_copy(g_hbm.at[eidx[0].at[0]], rows[0], gsem[0])

        def visit(io, carry):
            for u in range(2):
                j = io * 2 + u
                bp = 1 - u
                pltpu.sync_copy(e3_hbm.at[gbase + j + 1], eidx[bp])
                pltpu.async_copy(g_hbm.at[eidx[bp].at[0]], rows[bp], gsem[bp])
                pltpu.make_async_copy(g_hbm.at[pl.ds(0, EC)],
                                      rows[u], gsem[u]).wait()
                pltpu.sync_copy(rows[u], acc_s.at[eidx[u].at[1]], add=True)
            return carry

        lax.fori_loop(0, half, visit, 0)

        def fin(j, carry):
            u = 0
            pltpu.make_async_copy(g_hbm.at[pl.ds(0, EC)],
                                  rows[u], gsem[u]).wait()
            pltpu.sync_copy(rows[u], acc_s.at[eidx[u].at[1]], add=True)

            @pl.when(j + 1 < n_chunks)
            def _():
                pltpu.sync_copy(e3_hbm.at[gbase + j + 1], eidx[u])
                pltpu.async_copy(g_hbm.at[eidx[u].at[0]], rows[u], gsem[u])
            return carry

        lax.fori_loop(2 * half, n_chunks, fin, 0)
        plsc.subcore_barrier()
        pltpu.sync_copy(acc_s.at[pl.ds(s * rpt, rpt)],
                        out_hbm.at[c, pl.ds(s * rpt, rpt)])

        @pl.when(s == NS - 1)
        def _():
            pltpu.sync_copy(acc_s.at[pl.ds(NS * rpt, tail)],
                            out_hbm.at[c, pl.ds(NS * rpt, tail)])

    return k(g, e3, zeros_nh)



RB = 2000


def _tc_mm_scale(x, W, p0, p1):
    N, D = x.shape
    H = W.shape[1]
    nb = N // RB

    def body(x_ref, w_ref, p0_ref, p1_ref, g_ref, dis_ref):
        deg = p0_ref[...] + p1_ref[...] + 1.0
        dis = lax.rsqrt(jnp.maximum(deg, 1e-12))
        h = jnp.dot(x_ref[...], w_ref[...], preferred_element_type=jnp.float32)
        g_ref[...] = h * dis
        dis_ref[...] = dis

    return pl.pallas_call(
        body,
        grid=(nb,),
        in_specs=[
            pl.BlockSpec((RB, D), lambda i: (i, 0)),
            pl.BlockSpec((D, H), lambda i: (0, 0)),
            pl.BlockSpec((RB, 1), lambda i: (i, 0)),
            pl.BlockSpec((RB, 1), lambda i: (i, 0)),
        ],
        out_specs=[
            pl.BlockSpec((RB, H), lambda i: (i, 0)),
            pl.BlockSpec((RB, 1), lambda i: (i, 0)),
        ],
        out_shape=[
            jax.ShapeDtypeStruct((N, H), jnp.float32),
            jax.ShapeDtypeStruct((N, 1), jnp.float32),
        ],
    )(x, W, p0, p1)


def _tc_post(a0, a1, g, dis, b):
    N, H = g.shape
    nb = N // RB

    def body(a0_ref, a1_ref, g_ref, dis_ref, b_ref, t_ref, st_ref):
        i = pl.program_id(0)
        t = dis_ref[...] * (a0_ref[...] + a1_ref[...] + g_ref[...]) + b_ref[...][None, :]
        t_ref[...] = t

        @pl.when(i == 0)
        def _():
            st_ref[...] = jnp.zeros_like(st_ref)

        st_ref[0:1, :] += jnp.sum(t, axis=0, keepdims=True)
        st_ref[1:2, :] += jnp.sum(t * t, axis=0, keepdims=True)

    return pl.pallas_call(
        body,
        grid=(nb,),
        in_specs=[
            pl.BlockSpec((RB, H), lambda i: (i, 0)),
            pl.BlockSpec((RB, H), lambda i: (i, 0)),
            pl.BlockSpec((RB, H), lambda i: (i, 0)),
            pl.BlockSpec((RB, 1), lambda i: (i, 0)),
            pl.BlockSpec((H,), lambda i: (0,)),
        ],
        out_specs=[
            pl.BlockSpec((RB, H), lambda i: (i, 0)),
            pl.BlockSpec((2, H), lambda i: (0, 0)),
        ],
        out_shape=[
            jax.ShapeDtypeStruct((N, H), jnp.float32),
            jax.ShapeDtypeStruct((2, H), jnp.float32),
        ],
    )(a0, a1, g, dis, b)


def _tc_bn_mm(t, st, gamma, beta, dis, W):
    N, H = t.shape
    H2 = W.shape[1]
    nb = N // RB
    inv_n = 1.0 / N

    def body(t_ref, st_ref, ga_ref, be_ref, dis_ref, w_ref, g_ref):
        mu = st_ref[0:1, :] * inv_n
        var = st_ref[1:2, :] * inv_n - mu * mu
        hn = (t_ref[...] - mu) * lax.rsqrt(var + 1e-5) * ga_ref[...][None, :] \
            + be_ref[...][None, :]
        h = jnp.maximum(hn, 0.0)
        g_ref[...] = dis_ref[...] * jnp.dot(
            h, w_ref[...], preferred_element_type=jnp.float32)

    return pl.pallas_call(
        body,
        grid=(nb,),
        in_specs=[
            pl.BlockSpec((RB, H), lambda i: (i, 0)),
            pl.BlockSpec((2, H), lambda i: (0, 0)),
            pl.BlockSpec((H,), lambda i: (0,)),
            pl.BlockSpec((H,), lambda i: (0,)),
            pl.BlockSpec((RB, 1), lambda i: (i, 0)),
            pl.BlockSpec((H, H2), lambda i: (0, 0)),
        ],
        out_specs=pl.BlockSpec((RB, H2), lambda i: (i, 0)),
        out_shape=jax.ShapeDtypeStruct((N, H2), jnp.float32),
    )(t, st, gamma, beta, dis, W)


def _tc_final(t, st, gamma, beta, att_w, Wc, bc, batch_col, ng):
    N, H = t.shape
    nb = N // RB
    inv_n = 1.0 / N

    def body(t_ref, st_ref, ga_ref, be_ref, aw_ref, wc_ref, bc_ref, b_ref,
             att_ref, log_ref, pool_s):
        i = pl.program_id(0)
        mu = st_ref[0:1, :] * inv_n
        var = st_ref[1:2, :] * inv_n - mu * mu
        hn = (t_ref[...] - mu) * lax.rsqrt(var + 1e-5) * ga_ref[...][None, :] \
            + be_ref[...][None, :]
        h = jnp.maximum(hn, 0.0)
        att = jax.nn.sigmoid(
            jnp.dot(h, aw_ref[...], preferred_element_type=jnp.float32))
        att_ref[...] = att
        w = h * att
        oh = (lax.broadcasted_iota(jnp.int32, (RB, ng), 1)
              == b_ref[...]).astype(jnp.float32)
        part = lax.dot_general(oh, w, (((0,), (0,)), ((), ())),
                               preferred_element_type=jnp.float32,
                               precision=lax.Precision.HIGHEST)

        @pl.when(i == 0)
        def _():
            pool_s[...] = jnp.zeros_like(pool_s)

        pool_s[...] += part

        @pl.when(i == nb - 1)
        def _():
            log_ref[...] = jnp.dot(
                pool_s[...], wc_ref[...],
                preferred_element_type=jnp.float32) + bc_ref[...][None, :]

    return pl.pallas_call(
        body,
        grid=(nb,),
        in_specs=[
            pl.BlockSpec((RB, H), lambda i: (i, 0)),
            pl.BlockSpec((2, H), lambda i: (0, 0)),
            pl.BlockSpec((H,), lambda i: (0,)),
            pl.BlockSpec((H,), lambda i: (0,)),
            pl.BlockSpec((H, 1), lambda i: (0, 0)),
            pl.BlockSpec((H, 1), lambda i: (0, 0)),
            pl.BlockSpec((1,), lambda i: (0,)),
            pl.BlockSpec((RB, 1), lambda i: (i, 0)),
        ],
        out_specs=[
            pl.BlockSpec((RB, 1), lambda i: (i, 0)),
            pl.BlockSpec((ng, 1), lambda i: (0, 0)),
        ],
        out_shape=[
            jax.ShapeDtypeStruct((N, 1), jnp.float32),
            jax.ShapeDtypeStruct((ng, 1), jnp.float32),
        ],
        scratch_shapes=[pltpu.VMEM((ng, H), jnp.float32)],
    )(t, st, gamma, beta, att_w, Wc, bc, batch_col)



def kernel(x, edge_index, batch, W1, b1, W2, b2, bn1_gamma, bn1_beta,
           bn2_gamma, bn2_beta, att_w, Wc, bc):
    N, D = x.shape
    H = W1.shape[1]
    E = edge_index.shape[1]
    ng = 64
    batch_col = batch.reshape(N, 1)

    quantum = NC * NS * CH * NB
    e_tot = ((E + quantum - 1) // quantum) * quantum
    dst_p = jnp.concatenate(
        [edge_index[1],
         N + (jnp.arange(e_tot - E, dtype=jnp.int32) % 64)])

    n_pad = ((N + NS * 16 - 1) // (NS * 16)) * (NS * 16)
    zeros_nh = jnp.zeros((N, H), jnp.float32)

    e3 = jnp.stack([edge_index[0].reshape(-1, EC),
                    edge_index[1].reshape(-1, EC)], axis=1)
    degp = _sc_degree(dst_p, n_pad)
    p0 = degp[:N].reshape(N, 1)
    p1 = degp[n_pad:n_pad + N].reshape(N, 1)

    g1, dis = _tc_mm_scale(x, W1, p0, p1)
    acc1 = _sc_scatter(g1, e3, zeros_nh)
    t1, st1 = _tc_post(acc1[0], acc1[1], g1, dis, b1)
    g2 = _tc_bn_mm(t1, st1, bn1_gamma, bn1_beta, dis, W2)
    acc2 = _sc_scatter(g2, e3, zeros_nh)
    t2, st2 = _tc_post(acc2[0], acc2[1], g2, dis, b2)
    att, logits = _tc_final(t2, st2, bn2_gamma, bn2_beta, att_w, Wc,
                            bc, batch_col, ng)
    return (logits, att)

# --- scband reference (transcript-rebuilt; emitter-appended) ---
"""Pipeline reference for scband-attention2-conv-10797547782216 (READ-ONLY COPY).

The authoritative reference and input builder live on the scoring server;
editing this copy changes nothing except your own understanding.
"""

import jax, jax.numpy as jnp
import numpy as np

N = 10000
E = 320000
D = 128
H = 128
NG = 64


def setup_inputs(seed: int = 0) -> dict:
    key = jax.random.key(seed)
    ks = jax.random.split(key, 16)
    x = jax.random.normal(ks[0], (N, D), dtype=jnp.float32)
    edge_index = jax.random.randint(ks[1], (2, E), 0, N, dtype=jnp.int32)
    batch = jnp.sort(jax.random.randint(ks[2], (N,), 0, NG, dtype=jnp.int32))
    W1 = jax.random.normal(ks[3], (D, H), dtype=jnp.float32) * (1.0 / np.sqrt(D))
    b1 = jnp.zeros((H,), dtype=jnp.float32)
    W2 = jax.random.normal(ks[4], (H, H), dtype=jnp.float32) * (1.0 / np.sqrt(H))
    b2 = jnp.zeros((H,), dtype=jnp.float32)
    bn1_gamma = jnp.ones((H,), dtype=jnp.float32)
    bn1_beta = jnp.zeros((H,), dtype=jnp.float32)
    bn2_gamma = jnp.ones((H,), dtype=jnp.float32)
    bn2_beta = jnp.zeros((H,), dtype=jnp.float32)
    att_w = jax.random.normal(ks[5], (H, 1), dtype=jnp.float32) * (1.0 / np.sqrt(H))
    Wc = jax.random.normal(ks[6], (H, 1), dtype=jnp.float32) * (1.0 / np.sqrt(H))
    bc = jnp.zeros((1,), dtype=jnp.float32)
    return {"x": x, "edge_index": edge_index, "batch": batch, "W1": W1, "b1": b1,
            "W2": W2, "b2": b2, "bn1_gamma": bn1_gamma, "bn1_beta": bn1_beta,
            "bn2_gamma": bn2_gamma, "bn2_beta": bn2_beta, "att_w": att_w,
            "Wc": Wc, "bc": bc}


def _gcn_conv(x, src, dst, W, b):
    n = x.shape[0]
    h = x @ W
    loop = jnp.arange(n, dtype=src.dtype)
    s = jnp.concatenate([src, loop])
    d = jnp.concatenate([dst, loop])
    deg = jnp.zeros((n,), dtype=x.dtype).at[d].add(1.0)
    dis = jax.lax.rsqrt(jnp.maximum(deg, 1e-12))
    norm = dis[s] * dis[d]
    msg = h[s] * norm[:, None]
    out = jnp.zeros((n, W.shape[1]), dtype=x.dtype).at[d].add(msg)
    return out + b


def _bn(h, gamma, beta, eps=1e-5):
    mu = h.mean(axis=0)
    var = h.var(axis=0)
    return (h - mu) * jax.lax.rsqrt(var + eps) * gamma + beta


def reference(x, edge_index, batch, W1, b1, W2, b2, bn1_gamma, bn1_beta,
              bn2_gamma, bn2_beta, att_w, Wc, bc):
    src, dst = edge_index[0], edge_index[1]
    # eval mode: edge dropout and feature dropout are identity
    h = _gcn_conv(x, src, dst, W1, b1)
    h = _bn(h, bn1_gamma, bn1_beta)
    h = jax.nn.relu(h)
    h = _gcn_conv(h, src, dst, W2, b2)
    h = _bn(h, bn2_gamma, bn2_beta)
    h = jax.nn.relu(h)
    attention_scores = jax.nn.sigmoid(h @ att_w)
    weighted = h * attention_scores
    graph_embedding = jax.ops.segment_sum(weighted, batch, num_segments=NG)
    logits = graph_embedding @ Wc + bc
    return (logits, attention_scores)

if __name__ == "__main__":
    import jax
    _d = setup_inputs()
    print(jax.jit(kernel)(*tuple(_d.values())))

</pallas_src>

<mosaic_0001>
#map = affine_map<(d0, d1) -> (0)>
module attributes {stable_mosaic.version = 14 : i64} {
  func.func @k(%arg0: i32, %arg1: i32, %arg2: memref<327680xi32, #tpu.memory_space<hbm>>, %arg3: memref<20480xf32, #tpu.memory_space<hbm>>, %arg4: memref<128xi32, #tpu.memory_space<vmem>>, %arg5: memref<128xi32, #tpu.memory_space<vmem>>, %arg6: memref<128xf32, #tpu.memory_space<vmem>>, %arg7: memref<640xf32, #tpu.memory_space<vmem>>, %arg8: memref<10240xf32, #tpu.memory_space<vmem_shared>>, %arg9: memref<!tpu.dma_semaphore, #tpu.memory_space<semaphore_mem>>, %arg10: memref<!tpu.dma_semaphore, #tpu.memory_space<semaphore_mem>>, %arg11: memref<!tpu.dma_semaphore, #tpu.memory_space<semaphore_mem>>, %arg12: memref<!tpu.dma_semaphore, #tpu.memory_space<semaphore_mem>>) attributes {dimension_semantics = [#tpu.dimension_semantics<core_parallel>, #tpu.dimension_semantics<subcore_parallel>], iteration_bounds = array<i64: 2, 16>, scalar_prefetch = 0 : i64, scratch_operands = 9 : i64, tpu.core_type = #tpu.core_type<sc_vector_subcore>, window_params = [{transform_indices = #map}, {transform_indices = #map}]} {
    %mul3A = arith.constant 16 : i32
    %mul3A_0 = arith.muli %arg0, %mul3A : i32
    %add3A = arith.addi %mul3A_0, %arg1 : i32
    %mul3A_1 = arith.constant 10240 : i32
    %mul3A_2 = arith.muli %add3A, %mul3A_1 : i32
    %broadcast_in_dim3A = arith.constant 1.000000e+00 : f32
    %broadcast_in_dim3A_3 = vector.broadcast %broadcast_in_dim3A : f32 to vector<16xf32>
    %swap3A = arith.constant 0 : index
    %swap3A_4 = tpu.vector_load %arg6[%swap3A] {strides = array<i32>} : memref<128xf32, #tpu.memory_space<vmem>>, vector<16xf32>,
    %swap3A_5 = vector.shape_cast %swap3A_4 : vector<16xf32> to vector<16xf32>
    %swap3A_6 = vector.shape_cast %broadcast_in_dim3A_3 : vector<16xf32> to vector<16xf32>
    tpu.vector_store %arg6[%swap3A], %swap3A_6 {strides = array<i32>} : memref<128xf32, #tpu.memory_space<vmem>>, vector<16xf32>,
    %broadcast_in_dim3A_7 = arith.constant 1.000000e+00 : f32
    %broadcast_in_dim3A_8 = vector.broadcast %broadcast_in_dim3A_7 : f32 to vector<16xf32>
    %swap3A_9 = arith.constant 16 : index
    %swap3A_10 = tpu.vector_load %arg6[%swap3A_9] {strides = array<i32>} : memref<128xf32, #tpu.memory_space<vmem>>, vector<16xf32>,
    %swap3A_11 = vector.shape_cast %swap3A_10 : vector<16xf32> to vector<16xf32>
    %swap3A_12 = vector.shape_cast %broadcast_in_dim3A_8 : vector<16xf32> to vector<16xf32>
    tpu.vector_store %arg6[%swap3A_9], %swap3A_12 {strides = array<i32>} : memref<128xf32, #tpu.memory_space<vmem>>, vector<16xf32>,
    %broadcast_in_dim3A_13 = arith.constant 1.000000e+00 : f32
    %broadcast_in_dim3A_14 = vector.broadcast %broadcast_in_dim3A_13 : f32 to vector<16xf32>
    %swap3A_15 = arith.constant 32 : index
    %swap3A_16 = tpu.vector_load %arg6[%swap3A_15] {strides = array<i32>} : memref<128xf32, #tpu.memory_space<vmem>>, vector<16xf32>,
    %swap3A_17 = vector.shape_cast %swap3A_16 : vector<16xf32> to vector<16xf32>
    %swap3A_18 = vector.shape_cast %broadcast_in_dim3A_14 : vector<16xf32> to vector<16xf32>
    tpu.vector_store %arg6[%swap3A_15], %swap3A_18 {strides = array<i32>} : memref<128xf32, #tpu.memory_space<vmem>>, vector<16xf32>,
    %broadcast_in_dim3A_19 = arith.constant 1.000000e+00 : f32
    %broadcast_in_dim3A_20 = vector.broadcast %broadcast_in_dim3A_19 : f32 to vector<16xf32>
    %swap3A_21 = arith.constant 48 : index
    %swap3A_22 = tpu.vector_load %arg6[%swap3A_21] {strides = array<i32>} : memref<128xf32, #tpu.memory_space<vmem>>, vector<16xf32>,
    %swap3A_23 = vector.shape_cast %swap3A_22 : vector<16xf32> to vector<16xf32>
    %swap3A_24 = vector.shape_cast %broadcast_in_dim3A_20 : vector<16xf32> to vector<16xf32>
    tpu.vector_store %arg6[%swap3A_21], %swap3A_24 {strides = array<i32>} : memref<128xf32, #tpu.memory_space<vmem>>, vector<16xf32>,
    %broadcast_in_dim3A_25 = arith.constant 1.000000e+00 : f32
    %broadcast_in_dim3A_26 = vector.broadcast %broadcast_in_dim3A_25 : f32 to vector<16xf32>
    %swap3A_27 = arith.constant 64 : index
    %swap3A_28 = tpu.vector_load %arg6[%swap3A_27] {strides = array<i32>} : memref<128xf32, #tpu.memory_space<vmem>>, vector<16xf32>,
    %swap3A_29 = vector.shape_cast %swap3A_28 : vector<16xf32> to vector<16xf32>
    %swap3A_30 = vector.shape_cast %broadcast_in_dim3A_26 : vector<16xf32> to vector<16xf32>
    tpu.vector_store %arg6[%swap3A_27], %swap3A_30 {strides = array<i32>} : memref<128xf32, #tpu.memory_space<vmem>>, vector<16xf32>,
    %broadcast_in_dim3A_31 = arith.constant 1.000000e+00 : f32
    %broadcast_in_dim3A_32 = vector.broadcast %broadcast_in_dim3A_31 : f32 to vector<16xf32>
    %swap3A_33 = arith.constant 80 : index
    %swap3A_34 = tpu.vector_load %arg6[%swap3A_33] {strides = array<i32>} : memref<128xf32, #tpu.memory_space<vmem>>, vector<16xf32>,
    %swap3A_35 = vector.shape_cast %swap3A_34 : vector<16xf32> to vector<16xf32>
    %swap3A_36 = vector.shape_cast %broadcast_in_dim3A_32 : vector<16xf32> to vector<16xf32>
    tpu.vector_store %arg6[%swap3A_33], %swap3A_36 {strides = array<i32>} : memref<128xf32, #tpu.memory_space<vmem>>, vector<16xf32>,
    %broadcast_in_dim3A_37 = arith.constant 1.000000e+00 : f32
    %broadcast_in_dim3A_38 = vector.broadcast %broadcast_in_dim3A_37 : f32 to vector<16xf32>
    %swap3A_39 = arith.constant 96 : index
    %swap3A_40 = tpu.vector_load %arg6[%swap3A_39] {strides = array<i32>} : memref<128xf32, #tpu.memory_space<vmem>>, vector<16xf32>,
    %swap3A_41 = vector.shape_cast %swap3A_40 : vector<16xf32> to vector<16xf32>
    %swap3A_42 = vector.shape_cast %broadcast_in_dim3A_38 : vector<16xf32> to vector<16xf32>
    tpu.vector_store %arg6[%swap3A_39], %swap3A_42 {strides = array<i32>} : memref<128xf32, #tpu.memory_space<vmem>>, vector<16xf32>,
    %broadcast_in_dim3A_43 = arith.constant 1.000000e+00 : f32
    %broadcast_in_dim3A_44 = vector.broadcast %broadcast_in_dim3A_43 : f32 to vector<16xf32>
    %swap3A_45 = arith.constant 112 : index
    %swap3A_46 = tpu.vector_load %arg6[%swap3A_45] {strides = array<i32>} : memref<128xf32, #tpu.memory_space<vmem>>, vector<16xf32>,
    %swap3A_47 = vector.shape_cast %swap3A_46 : vector<16xf32> to vector<16xf32>
    %swap3A_48 = vector.shape_cast %broadcast_in_dim3A_44 : vector<16xf32> to vector<16xf32>
    tpu.vector_store %arg6[%swap3A_45], %swap3A_48 {strides = array<i32>} : memref<128xf32, #tpu.memory_space<vmem>>, vector<16xf32>,
    %scan3A = arith.constant 0 : i32
    %scan3A_49 = arith.constant 0 : i32
    %scan3A_50 = arith.constant 40 : i32
    %scan3A_51 = arith.addi %scan3A_49, %scan3A_50 : i32
    %scan3A_52 = arith.constant 1 : i32
    scf.for %scan3A_76 = %scan3A_49 to %scan3A_51 step %scan3A_52  : i32 {
      %broadcast_in_dim3A_77 = arith.constant 0.000000e+00 : f32
      %broadcast_in_dim3A_78 = vector.broadcast %broadcast_in_dim3A_77 : f32 to vector<16xf32>
      %mul3A_79 = arith.constant 16 : i32
      %mul3A_80 = arith.muli %scan3A_76, %mul3A_79 : i32
      %swap3A_81 = arith.index_cast %mul3A_80 : i32 to index
      %swap3A_82 = tpu.vector_load %arg7[%swap3A_81] {strides = array<i32>} : memref<640xf32, #tpu.memory_space<vmem>>, vector<16xf32>,
      %swap3A_83 = vector.shape_cast %swap3A_82 : vector<16xf32> to vector<16xf32>
      %swap3A_84 = vector.shape_cast %broadcast_in_dim3A_78 : vector<16xf32> to vector<16xf32>
      tpu.vector_store %arg7[%swap3A_81], %swap3A_84 {strides = array<i32>} : memref<640xf32, #tpu.memory_space<vmem>>, vector<16xf32>,
    }
    %scan3A_53 = arith.constant 40 : i32
    %mul3A_54 = arith.constant 640 : i32
    %mul3A_55 = arith.muli %arg1, %mul3A_54 : i32
    "tpu.region"() ({
      %run_scoped3A = tpu.sem_alloc : memref<!tpu.dma_semaphore, #tpu.memory_space<semaphore_mem>>
      %dma_start3A_76 = tpu.memref_slice %arg8[%mul3A_55] : memref<10240xf32, #tpu.memory_space<vmem_shared>> -> memref<640xf32, #tpu.memory_space<vmem_shared>>
      %dma_start3A_77 = tpu.memref_slice %arg8[%mul3A_55] : memref<10240xf32, #tpu.memory_space<vmem_shared>> -> memref<640xf32, #tpu.memory_space<vmem_shared>>
      tpu.enqueue_dma source(%arg7 : memref<640xf32, #tpu.memory_space<vmem>>) target(%dma_start3A_77 : memref<640xf32, #tpu.memory_space<vmem_shared>>) target_semaphore(%run_scoped3A : memref<!tpu.dma_semaphore, #tpu.memory_space<semaphore_mem>>)
      %dma_wait3A_78 = tpu.memref_slice %arg8[%mul3A_55] : memref<10240xf32, #tpu.memory_space<vmem_shared>> -> memref<640xf32, #tpu.memory_space<vmem_shared>>
      %dma_wait3A_79 = tpu.memref_slice %arg8[%mul3A_55] : memref<10240xf32, #tpu.memory_space<vmem_shared>> -> memref<640xf32, #tpu.memory_space<vmem_shared>>
      tpu.wait_dma2 semaphore(%run_scoped3A : memref<!tpu.dma_semaphore, #tpu.memory_space<semaphore_mem>>) src(%arg7 : memref<640xf32, #tpu.memory_space<vmem>>) dst(%dma_wait3A_79 : memref<640xf32, #tpu.memory_space<vmem_shared>>)
      tpu.yield
    }) : () -> ()
    %barrier3A = arith.constant 0 : index
    tpu.barrier barrier_id(%barrier3A)
    %add3A_56 = arith.constant 0 : i32
    %add3A_57 = arith.addi %mul3A_2, %add3A_56 : i32
    %dma_start3A = tpu.memref_slice %arg2[%add3A_57] : memref<327680xi32, #tpu.memory_space<hbm>> -> memref<128xi32, #tpu.memory_space<hbm>>
    %dma_start3A_58 = tpu.memref_slice %arg2[%add3A_57] : memref<327680xi32, #tpu.memory_space<hbm>> -> memref<128xi32, #tpu.memory_space<hbm>>
    tpu.enqueue_dma source(%dma_start3A_58 : memref<128xi32, #tpu.memory_space<hbm>>) target(%arg4 : memref<128xi32, #tpu.memory_space<vmem>>) target_semaphore(%arg9 : memref<!tpu.dma_semaphore, #tpu.memory_space<semaphore_mem>>)
    %scan3A_59 = arith.constant 0 : i32
    %scan3A_60 = arith.constant 0 : i32
    %scan3A_61 = arith.constant 40 : i32
    %scan3A_62 = arith.addi %scan3A_60, %scan3A_61 : i32
    %scan3A_63 = arith.constant 1 : i32
    scf.for %scan3A_76 = %scan3A_60 to %scan3A_62 step %scan3A_63  : i32 {
      %mul3A_77 = arith.constant 2 : i32
      %mul3A_78 = arith.muli %scan3A_76, %mul3A_77 : i32
      %add3A_79 = arith.constant 0 : i32
      %add3A_80 = arith.addi %mul3A_78, %add3A_79 : i32
      %dma_wait3A_81 = arith.constant 0 : i32
      %dma_wait3A_82 = tpu.memref_slice %arg2[%dma_wait3A_81] : memref<327680xi32, #tpu.memory_space<hbm>> -> memref<128xi32, #tpu.memory_space<hbm>>
      %dma_wait3A_83 = arith.constant 0 : i32
      %dma_wait3A_84 = tpu.memref_slice %arg2[%dma_wait3A_83] : memref<327680xi32, #tpu.memory_space<hbm>> -> memref<128xi32, #tpu.memory_space<hbm>>
      tpu.wait_dma2 semaphore(%arg9 : memref<!tpu.dma_semaphore, #tpu.memory_space<semaphore_mem>>) src(%dma_wait3A_84 : memref<128xi32, #tpu.memory_space<hbm>>) dst(%arg4 : memref<128xi32, #tpu.memory_space<vmem>>)
      %dma_start3A_85 = arith.constant 0 : i32
      %dma_start3A_86 = tpu.memref_slice %arg8[%dma_start3A_85] : memref<10240xf32, #tpu.memory_space<vmem_shared>> -> memref<10240xf32, #tpu.memory_space<vmem_shared>>
      tpu.enqueue_indirect_dma source(%arg6 : memref<128xf32, #tpu.memory_space<vmem>>) target(%dma_start3A_86 : memref<10240xf32, #tpu.memory_space<vmem_shared>>) offsets(%arg4 : memref<128xi32, #tpu.memory_space<vmem>>) semaphore(%arg11 : memref<!tpu.dma_semaphore, #tpu.memory_space<semaphore_mem>>) {add = true}
      %ge3A = arith.constant 1 : i32
      %ge3A_87 = arith.cmpi sge, %add3A_80, %ge3A : i32
      %convert_element_type3A = arith.extui %ge3A_87 : i1 to i32
      %cond3A = arith.constant 0 : i32
      %cond3A_88 = arith.cmpi ne, %convert_element_type3A, %cond3A : i32
      scf.if %cond3A_88 {
        %dma_wait3A_119 = arith.constant 0 : i32
        %dma_wait3A_120 = tpu.memref_slice %arg3[%dma_wait3A_119] : memref<20480xf32, #tpu.memory_space<hbm>> -> memref<128xf32, #tpu.memory_space<hbm>>
        %dma_wait3A_121 = arith.constant 0 : i32
        %dma_wait3A_122 = tpu.memref_slice %arg3[%dma_wait3A_121] : memref<20480xf32, #tpu.memory_space<hbm>> -> memref<128xf32, #tpu.memory_space<hbm>>
        tpu.wait_dma2 semaphore(%arg12 : memref<!tpu.dma_semaphore, #tpu.memory_space<semaphore_mem>>) src(%dma_wait3A_122 : memref<128xf32, #tpu.memory_space<hbm>>) dst(%arg6 : memref<128xf32, #tpu.memory_space<vmem>>)
      } else {
      }
      %add3A_89 = arith.constant 2 : i32
      %add3A_90 = arith.addi %add3A_80, %add3A_89 : i32
      %sub3A = arith.constant 1 : i32
      %sub3A_91 = arith.subi %add3A_90, %sub3A : i32
      %lt3A = arith.constant 80 : i32
      %lt3A_92 = arith.cmpi slt, %sub3A_91, %lt3A : i32
      %convert_element_type3A_93 = arith.extui %lt3A_92 : i1 to i32
      %cond3A_94 = arith.constant 0 : i32
      %cond3A_95 = arith.cmpi ne, %convert_element_type3A_93, %cond3A_94 : i32
      scf.if %cond3A_95 {
        %add3A_119 = arith.constant 2 : i32
        %add3A_120 = arith.addi %add3A_80, %add3A_119 : i32
        %sub3A_121 = arith.constant 1 : i32
        %sub3A_122 = arith.subi %add3A_120, %sub3A_121 : i32
        %mul3A_123 = arith.constant 128 : i32
        %mul3A_124 = arith.muli %sub3A_122, %mul3A_123 : i32
        %add3A_125 = arith.addi %mul3A_2, %mul3A_124 : i32
        %dma_start3A_126 = tpu.memref_slice %arg2[%add3A_125] : memref<327680xi32, #tpu.memory_space<hbm>> -> memref<128xi32, #tpu.memory_space<hbm>>
        %dma_start3A_127 = tpu.memref_slice %arg2[%add3A_125] : memref<327680xi32, #tpu.memory_space<hbm>> -> memref<128xi32, #tpu.memory_space<hbm>>
        tpu.enqueue_dma source(%dma_start3A_127 : memref<128xi32, #tpu.memory_space<hbm>>) target(%arg5 : memref<128xi32, #tpu.memory_space<vmem>>) target_semaphore(%arg10 : memref<!tpu.dma_semaphore, #tpu.memory_space<semaphore_mem>>)
      } else {
      }
      %mul3A_96 = arith.constant 2 : i32
      %mul3A_97 = arith.muli %scan3A_76, %mul3A_96 : i32
      %add3A_98 = arith.constant 1 : i32
      %add3A_99 = arith.addi %mul3A_97, %add3A_98 : i32
      %dma_wait3A_100 = arith.constant 0 : i32
      %dma_wait3A_101 = tpu.memref_slice %arg2[%dma_wait3A_100] : memref<327680xi32, #tpu.memory_space<hbm>> -> memref<128xi32, #tpu.memory_space<hbm>>
      %dma_wait3A_102 = arith.constant 0 : i32
      %dma_wait3A_103 = tpu.memref_slice %arg2[%dma_wait3A_102] : memref<327680xi32, #tpu.memory_space<hbm>> -> memref<128xi32, #tpu.memory_space<hbm>>
      tpu.wait_dma2 semaphore(%arg10 : memref<!tpu.dma_semaphore, #tpu.memory_space<semaphore_mem>>) src(%dma_wait3A_103 : memref<128xi32, #tpu.memory_space<hbm>>) dst(%arg5 : memref<128xi32, #tpu.memory_space<vmem>>)
      %dma_start3A_104 = arith.constant 0 : i32
      %dma_start3A_105 = tpu.memref_slice %arg8[%dma_start3A_104] : memref<10240xf32, #tpu.memory_space<vmem_shared>> -> memref<10240xf32, #tpu.memory_space<vmem_shared>>
      tpu.enqueue_indirect_dma source(%arg6 : memref<128xf32, #tpu.memory_space<vmem>>) target(%dma_start3A_105 : memref<10240xf32, #tpu.memory_space<vmem_shared>>) offsets(%arg5 : memref<128xi32, #tpu.memory_space<vmem>>) semaphore(%arg12 : memref<!tpu.dma_semaphore, #tpu.memory_space<semaphore_mem>>) {add = true}
      %dma_wait3A_106 = arith.constant 0 : i32
      %dma_wait3A_107 = tpu.memref_slice %arg3[%dma_wait3A_106] : memref<20480xf32, #tpu.memory_space<hbm>> -> memref<128xf32, #tpu.memory_space<hbm>>
      %dma_wait3A_108 = arith.constant 0 : i32
      %dma_wait3A_109 = tpu.memref_slice %arg3[%dma_wait3A_108] : memref<20480xf32, #tpu.memory_space<hbm>> -> memref<128xf32, #tpu.memory_space<hbm>>
      tpu.wait_dma2 semaphore(%arg11 : memref<!tpu.dma_semaphore, #tpu.memory_space<semaphore_mem>>) src(%dma_wait3A_109 : memref<128xf32, #tpu.memory_space<hbm>>) dst(%arg6 : memref<128xf32, #tpu.memory_space<vmem>>)
      %add3A_110 = arith.constant 2 : i32
      %add3A_111 = arith.addi %add3A_99, %add3A_110 : i32
      %sub3A_112 = arith.constant 1 : i32
      %sub3A_113 = arith.subi %add3A_111, %sub3A_112 : i32
      %lt3A_114 = arith.constant 80 : i32
      %lt3A_115 = arith.cmpi slt, %sub3A_113, %lt3A_114 : i32
      %convert_element_type3A_116 = arith.extui %lt3A_115 : i1 to i32
      %cond3A_117 = arith.constant 0 : i32
      %cond3A_118 = arith.cmpi ne, %convert_element_type3A_116, %cond3A_117 : i32
      scf.if %cond3A_118 {
        %add3A_119 = arith.constant 2 : i32
        %add3A_120 = arith.addi %add3A_99, %add3A_119 : i32
        %sub3A_121 = arith.constant 1 : i32
        %sub3A_122 = arith.subi %add3A_120, %sub3A_121 : i32
        %mul3A_123 = arith.constant 128 : i32
        %mul3A_124 = arith.muli %sub3A_122, %mul3A_123 : i32
        %add3A_125 = arith.addi %mul3A_2, %mul3A_124 : i32
        %dma_start3A_126 = tpu.memref_slice %arg2[%add3A_125] : memref<327680xi32, #tpu.memory_space<hbm>> -> memref<128xi32, #tpu.memory_space<hbm>>
        %dma_start3A_127 = tpu.memref_slice %arg2[%add3A_125] : memref<327680xi32, #tpu.memory_space<hbm>> -> memref<128xi32, #tpu.memory_space<hbm>>
        tpu.enqueue_dma source(%dma_start3A_127 : memref<128xi32, #tpu.memory_space<hbm>>) target(%arg4 : memref<128xi32, #tpu.memory_space<vmem>>) target_semaphore(%arg9 : memref<!tpu.dma_semaphore, #tpu.memory_space<semaphore_mem>>)
      } else {
      }
    }
    %scan3A_64 = arith.constant 40 : i32
    %dma_wait3A = arith.constant 0 : i32
    %dma_wait3A_65 = tpu.memref_slice %arg3[%dma_wait3A] : memref<20480xf32, #tpu.memory_space<hbm>> -> memref<128xf32, #tpu.memory_space<hbm>>
    %dma_wait3A_66 = arith.constant 0 : i32
    %dma_wait3A_67 = tpu.memref_slice %arg3[%dma_wait3A_66] : memref<20480xf32, #tpu.memory_space<hbm>> -> memref<128xf32, #tpu.memory_space<hbm>>
    tpu.wait_dma2 semaphore(%arg12 : memref<!tpu.dma_semaphore, #tpu.memory_space<semaphore_mem>>) src(%dma_wait3A_67 : memref<128xf32, #tpu.memory_space<hbm>>) dst(%arg6 : memref<128xf32, #tpu.memory_space<vmem>>)
    %barrier3A_68 = arith.constant 0 : index
    tpu.barrier barrier_id(%barrier3A_68)
    %mul3A_69 = arith.constant 640 : i32
    %mul3A_70 = arith.muli %arg1, %mul3A_69 : i32
    "tpu.region"() ({
      %run_scoped3A = tpu.sem_alloc : memref<!tpu.dma_semaphore, #tpu.memory_space<semaphore_mem>>
      %dma_start3A_76 = tpu.memref_slice %arg8[%mul3A_70] : memref<10240xf32, #tpu.memory_space<vmem_shared>> -> memref<640xf32, #tpu.memory_space<vmem_shared>>
      %dma_start3A_77 = tpu.memref_slice %arg8[%mul3A_70] : memref<10240xf32, #tpu.memory_space<vmem_shared>> -> memref<640xf32, #tpu.memory_space<vmem_shared>>
      tpu.enqueue_dma source(%dma_start3A_77 : memref<640xf32, #tpu.memory_space<vmem_shared>>) target(%arg7 : memref<640xf32, #tpu.memory_space<vmem>>) target_semaphore(%run_scoped3A : memref<!tpu.dma_semaphore, #tpu.memory_space<semaphore_mem>>)
      %dma_wait3A_78 = tpu.memref_slice %arg8[%mul3A_70] : memref<10240xf32, #tpu.memory_space<vmem_shared>> -> memref<640xf32, #tpu.memory_space<vmem_shared>>
      %dma_wait3A_79 = tpu.memref_slice %arg8[%mul3A_70] : memref<10240xf32, #tpu.memory_space<vmem_shared>> -> memref<640xf32, #tpu.memory_space<vmem_shared>>
      tpu.wait_dma2 semaphore(%run_scoped3A : memref<!tpu.dma_semaphore, #tpu.memory_space<semaphore_mem>>) src(%dma_wait3A_79 : memref<640xf32, #tpu.memory_space<vmem_shared>>) dst(%arg7 : memref<640xf32, #tpu.memory_space<vmem>>)
      tpu.yield
    }) : () -> ()
    %mul3A_71 = arith.constant 10240 : i32
    %mul3A_72 = arith.muli %arg0, %mul3A_71 : i32
    %mul3A_73 = arith.constant 640 : i32
    %mul3A_74 = arith.muli %arg1, %mul3A_73 : i32
    %add3A_75 = arith.addi %mul3A_72, %mul3A_74 : i32
    "tpu.region"() ({
      %run_scoped3A = tpu.sem_alloc : memref<!tpu.dma_semaphore, #tpu.memory_space<semaphore_mem>>
      %dma_start3A_76 = tpu.memref_slice %arg3[%add3A_75] : memref<20480xf32, #tpu.memory_space<hbm>> -> memref<640xf32, #tpu.memory_space<hbm>>
      %dma_start3A_77 = tpu.memref_slice %arg3[%add3A_75] : memref<20480xf32, #tpu.memory_space<hbm>> -> memref<640xf32, #tpu.memory_space<hbm>>
      tpu.enqueue_dma source(%arg7 : memref<640xf32, #tpu.memory_space<vmem>>) target(%dma_start3A_77 : memref<640xf32, #tpu.memory_space<hbm>>) target_semaphore(%run_scoped3A : memref<!tpu.dma_semaphore, #tpu.memory_space<semaphore_mem>>)
      %dma_wait3A_78 = tpu.memref_slice %arg3[%add3A_75] : memref<20480xf32, #tpu.memory_space<hbm>> -> memref<640xf32, #tpu.memory_space<hbm>>
      %dma_wait3A_79 = tpu.memref_slice %arg3[%add3A_75] : memref<20480xf32, #tpu.memory_space<hbm>> -> memref<640xf32, #tpu.memory_space<hbm>>
      tpu.wait_dma2 semaphore(%run_scoped3A : memref<!tpu.dma_semaphore, #tpu.memory_space<semaphore_mem>>) src(%arg7 : memref<640xf32, #tpu.memory_space<vmem>>) dst(%dma_wait3A_79 : memref<640xf32, #tpu.memory_space<hbm>>)
      tpu.yield
    }) : () -> ()
    return
  }
}

#map = affine_map<(d0, d1) -> (0, 0)>
#map1 = affine_map<(d0, d1) -> (0, 0, 0)>
module attributes {stable_mosaic.version = 14 : i64} {
  func.func @k(%arg0: i32, %arg1: i32, %arg2: memref<10000x128xf32, #tpu.memory_space<hbm>>, %arg3: memref<4000x2x80xi32, #tpu.memory_space<hbm>>, %arg4: memref<10000x128xf32, #tpu.memory_space<hbm>>, %arg5: memref<2x10000x128xf32, #tpu.memory_space<hbm>>, %arg6: memref<2x80xi32, #tpu.memory_space<vmem>>, %arg7: memref<2x80xi32, #tpu.memory_space<vmem>>, %arg8: memref<80x128xf32, #tpu.memory_space<vmem>>, %arg9: memref<80x128xf32, #tpu.memory_space<vmem>>, %arg10: memref<10000x128xf32, #tpu.memory_space<vmem_shared>>, %arg11: memref<!tpu.dma_semaphore, #tpu.memory_space<semaphore_mem>>, %arg12: memref<!tpu.dma_semaphore, #tpu.memory_space<semaphore_mem>>) attributes {dimension_semantics = [#tpu.dimension_semantics<core_parallel>, #tpu.dimension_semantics<subcore_parallel>], iteration_bounds = array<i64: 2, 16>, scalar_prefetch = 0 : i64, scratch_operands = 7 : i64, tpu.core_type = #tpu.core_type<sc_vector_subcore>, window_params = [{transform_indices = #map}, {transform_indices = #map1}, {transform_indices = #map}, {transform_indices = #map1}]} {
    %mul3A = arith.constant 624 : i32
    %mul3A_0 = arith.muli %arg1, %mul3A : i32
    %mul3A_1 = arith.constant 624 : i32
    %mul3A_2 = arith.muli %arg1, %mul3A_1 : i32
    "tpu.region"() ({
      %run_scoped3A_44 = tpu.sem_alloc : memref<!tpu.dma_semaphore, #tpu.memory_space<semaphore_mem>>
      %dma_start3A_45 = arith.constant 0 : i32
      %dma_start3A_46 = tpu.memref_slice %arg10[%mul3A_2, %dma_start3A_45] : memref<10000x128xf32, #tpu.memory_space<vmem_shared>> -> memref<624x128xf32, #tpu.memory_space<vmem_shared>>
      %dma_start3A_47 = arith.constant 0 : i32
      %dma_start3A_48 = tpu.memref_slice %arg4[%mul3A_0, %dma_start3A_47] : memref<10000x128xf32, #tpu.memory_space<hbm>> -> memref<624x128xf32, #tpu.memory_space<hbm>>
      tpu.enqueue_dma source(%dma_start3A_48 : memref<624x128xf32, #tpu.memory_space<hbm>>) target(%dma_start3A_46 : memref<624x128xf32, #tpu.memory_space<vmem_shared>>) target_semaphore(%run_scoped3A_44 : memref<!tpu.dma_semaphore, #tpu.memory_space<semaphore_mem>>)
      %dma_wait3A_49 = arith.constant 0 : i32
      %dma_wait3A_50 = tpu.memref_slice %arg10[%mul3A_2, %dma_wait3A_49] : memref<10000x128xf32, #tpu.memory_space<vmem_shared>> -> memref<624x128xf32, #tpu.memory_space<vmem_shared>>
      %dma_wait3A_51 = arith.constant 0 : i32
      %dma_wait3A_52 = tpu.memref_slice %arg4[%mul3A_0, %dma_wait3A_51] : memref<10000x128xf32, #tpu.memory_space<hbm>> -> memref<624x128xf32, #tpu.memory_space<hbm>>
      tpu.wait_dma2 semaphore(%run_scoped3A_44 : memref<!tpu.dma_semaphore, #tpu.memory_space<semaphore_mem>>) src(%dma_wait3A_52 : memref<624x128xf32, #tpu.memory_space<hbm>>) dst(%dma_wait3A_50 : memref<624x128xf32, #tpu.memory_space<vmem_shared>>)
      tpu.yield
    }) : () -> ()
    %eq3A = arith.constant 15 : i32
    %eq3A_3 = arith.cmpi eq, %arg1, %eq3A : i32
    %convert_element_type3A = arith.extui %eq3A_3 : i1 to i32
    %cond3A = arith.constant 0 : i32
    %cond3A_4 = arith.cmpi ne, %convert_element_type3A, %cond3A : i32
    scf.if %cond3A_4 {
      "tpu.region"() ({
        %run_scoped3A_44 = tpu.sem_alloc : memref<!tpu.dma_semaphore, #tpu.memory_space<semaphore_mem>>
        %dma_start3A_45 = arith.constant 9984 : i32
        %dma_start3A_46 = arith.constant 0 : i32
        %dma_start3A_47 = tpu.memref_slice %arg10[%dma_start3A_45, %dma_start3A_46] : memref<10000x128xf32, #tpu.memory_space<vmem_shared>> -> memref<16x128xf32, #tpu.memory_space<vmem_shared>>
        %dma_start3A_48 = arith.constant 9984 : i32
        %dma_start3A_49 = arith.constant 0 : i32
        %dma_start3A_50 = tpu.memref_slice %arg4[%dma_start3A_48, %dma_start3A_49] : memref<10000x128xf32, #tpu.memory_space<hbm>> -> memref<16x128xf32, #tpu.memory_space<hbm>>
        tpu.enqueue_dma source(%dma_start3A_50 : memref<16x128xf32, #tpu.memory_space<hbm>>) target(%dma_start3A_47 : memref<16x128xf32, #tpu.memory_space<vmem_shared>>) target_semaphore(%run_scoped3A_44 : memref<!tpu.dma_semaphore, #tpu.memory_space<semaphore_mem>>)
        %dma_wait3A_51 = arith.constant 9984 : i32
        %dma_wait3A_52 = arith.constant 0 : i32
        %dma_wait3A_53 = tpu.memref_slice %arg10[%dma_wait3A_51, %dma_wait3A_52] : memref<10000x128xf32, #tpu.memory_space<vmem_shared>> -> memref<16x128xf32, #tpu.memory_space<vmem_shared>>
        %dma_wait3A_54 = arith.constant 9984 : i32
        %dma_wait3A_55 = arith.constant 0 : i32
        %dma_wait3A_56 = tpu.memref_slice %arg4[%dma_wait3A_54, %dma_wait3A_55] : memref<10000x128xf32, #tpu.memory_space<hbm>> -> memref<16x128xf32, #tpu.memory_space<hbm>>
        tpu.wait_dma2 semaphore(%run_scoped3A_44 : memref<!tpu.dma_semaphore, #tpu.memory_space<semaphore_mem>>) src(%dma_wait3A_56 : memref<16x128xf32, #tpu.memory_space<hbm>>) dst(%dma_wait3A_53 : memref<16x128xf32, #tpu.memory_space<vmem_shared>>)
        tpu.yield
      }) : () -> ()
    } else {
    }
    %barrier3A = arith.constant 0 : index
    tpu.barrier barrier_id(%barrier3A)
    %mul3A_5 = arith.constant 16 : i32
    %mul3A_6 = arith.muli %arg0, %mul3A_5 : i32
    %add3A = arith.addi %mul3A_6, %arg1 : i32
    %mul3A_7 = arith.constant 125 : i32
    %mul3A_8 = arith.muli %add3A, %mul3A_7 : i32
    "tpu.region"() ({
      %run_scoped3A_44 = tpu.sem_alloc : memref<!tpu.dma_semaphore, #tpu.memory_space<semaphore_mem>>
      %dma_start3A_45 = arith.constant 0 : i32
      %dma_start3A_46 = arith.constant 0 : i32
      %dma_start3A_47 = tpu.memref_slice %arg3[%mul3A_8, %dma_start3A_45, %dma_start3A_46] : memref<4000x2x80xi32, #tpu.memory_space<hbm>> -> memref<1x2x80xi32, #tpu.memory_space<hbm>>
      %dma_start3A_48 = tpu.memref_squeeze %dma_start3A_47 : memref<1x2x80xi32, #tpu.memory_space<hbm>> -> memref<2x80xi32, #tpu.memory_space<hbm>>
      %dma_start3A_49 = arith.constant 0 : i32
      %dma_start3A_50 = arith.constant 0 : i32
      %dma_start3A_51 = tpu.memref_slice %arg3[%mul3A_8, %dma_start3A_49, %dma_start3A_50] : memref<4000x2x80xi32, #tpu.memory_space<hbm>> -> memref<1x2x80xi32, #tpu.memory_space<hbm>>
      %dma_start3A_52 = tpu.memref_squeeze %dma_start3A_51 : memref<1x2x80xi32, #tpu.memory_space<hbm>> -> memref<2x80xi32, #tpu.memory_space<hbm>>
      tpu.enqueue_dma source(%dma_start3A_52 : memref<2x80xi32, #tpu.memory_space<hbm>>) target(%arg6 : memref<2x80xi32, #tpu.memory_space<vmem>>) target_semaphore(%run_scoped3A_44 : memref<!tpu.dma_semaphore, #tpu.memory_space<semaphore_mem>>)
      %dma_wait3A_53 = arith.constant 0 : i32
      %dma_wait3A_54 = arith.constant 0 : i32
      %dma_wait3A_55 = tpu.memref_slice %arg3[%mul3A_8, %dma_wait3A_53, %dma_wait3A_54] : memref<4000x2x80xi32, #tpu.memory_space<hbm>> -> memref<1x2x80xi32, #tpu.memory_space<hbm>>
      %dma_wait3A_56 = tpu.memref_squeeze %dma_wait3A_55 : memref<1x2x80xi32, #tpu.memory_space<hbm>> -> memref<2x80xi32, #tpu.memory_space<hbm>>
      %dma_wait3A_57 = arith.constant 0 : i32
      %dma_wait3A_58 = arith.constant 0 : i32
      %dma_wait3A_59 = tpu.memref_slice %arg3[%mul3A_8, %dma_wait3A_57, %dma_wait3A_58] : memref<4000x2x80xi32, #tpu.memory_space<hbm>> -> memref<1x2x80xi32, #tpu.memory_space<hbm>>
      %dma_wait3A_60 = tpu.memref_squeeze %dma_wait3A_59 : memref<1x2x80xi32, #tpu.memory_space<hbm>> -> memref<2x80xi32, #tpu.memory_space<hbm>>
      tpu.wait_dma2 semaphore(%run_scoped3A_44 : memref<!tpu.dma_semaphore, #tpu.memory_space<semaphore_mem>>) src(%dma_wait3A_60 : memref<2x80xi32, #tpu.memory_space<hbm>>) dst(%arg6 : memref<2x80xi32, #tpu.memory_space<vmem>>)
      tpu.yield
    }) : () -> ()
    %dma_start3A = arith.constant 0 : i32
    %dma_start3A_9 = arith.constant 0 : i32
    %dma_start3A_10 = tpu.memref_slice %arg6[%dma_start3A, %dma_start3A_9] : memref<2x80xi32, #tpu.memory_space<vmem>> -> memref<1x80xi32, #tpu.memory_space<vmem>>
    %dma_start3A_11 = tpu.memref_squeeze %dma_start3A_10 : memref<1x80xi32, #tpu.memory_space<vmem>> -> memref<80xi32, #tpu.memory_space<vmem>>
    %dma_start3A_12 = arith.constant 0 : i32
    %dma_start3A_13 = arith.constant 0 : i32
    %dma_start3A_14 = tpu.memref_slice %arg2[%dma_start3A_12, %dma_start3A_13] : memref<10000x128xf32, #tpu.memory_space<hbm>> -> memref<10000x128xf32, #tpu.memory_space<hbm>>
    tpu.enqueue_indirect_dma source(%dma_start3A_14 : memref<10000x128xf32, #tpu.memory_space<hbm>>) target(%arg8 : memref<80x128xf32, #tpu.memory_space<vmem>>) offsets(%dma_start3A_11 : memref<80xi32, #tpu.memory_space<vmem>>) semaphore(%arg11 : memref<!tpu.dma_semaphore, #tpu.memory_space<semaphore_mem>>)
    %scan3A = arith.constant 0 : i32
    %scan3A_15 = arith.constant 0 : i32
    %scan3A_16 = arith.constant 62 : i32
    %scan3A_17 = arith.addi %scan3A_15, %scan3A_16 : i32
    %scan3A_18 = arith.constant 1 : i32
    scf.for %scan3A_44 = %scan3A_15 to %scan3A_17 step %scan3A_18  : i32 {
      %mul3A_45 = arith.constant 2 : i32
      %mul3A_46 = arith.muli %scan3A_44, %mul3A_45 : i32
      %add3A_47 = arith.constant 0 : i32
      %add3A_48 = arith.addi %mul3A_46, %add3A_47 : i32
      %add3A_49 = arith.addi %mul3A_8, %add3A_48 : i32
      %add3A_50 = arith.constant 1 : i32
      %add3A_51 = arith.addi %add3A_49, %add3A_50 : i32
      "tpu.region"() ({
        %run_scoped3A_87 = tpu.sem_alloc : memref<!tpu.dma_semaphore, #tpu.memory_space<semaphore_mem>>
        %dma_start3A_88 = arith.constant 0 : i32
        %dma_start3A_89 = arith.constant 0 : i32
        %dma_start3A_90 = tpu.memref_slice %arg3[%add3A_51, %dma_start3A_88, %dma_start3A_89] : memref<4000x2x80xi32, #tpu.memory_space<hbm>> -> memref<1x2x80xi32, #tpu.memory_space<hbm>>
        %dma_start3A_91 = tpu.memref_squeeze %dma_start3A_90 : memref<1x2x80xi32, #tpu.memory_space<hbm>> -> memref<2x80xi32, #tpu.memory_space<hbm>>
        %dma_start3A_92 = arith.constant 0 : i32
        %dma_start3A_93 = arith.constant 0 : i32
        %dma_start3A_94 = tpu.memref_slice %arg3[%add3A_51, %dma_start3A_92, %dma_start3A_93] : memref<4000x2x80xi32, #tpu.memory_space<hbm>> -> memref<1x2x80xi32, #tpu.memory_space<hbm>>
        %dma_start3A_95 = tpu.memref_squeeze %dma_start3A_94 : memref<1x2x80xi32, #tpu.memory_space<hbm>> -> memref<2x80xi32, #tpu.memory_space<hbm>>
        tpu.enqueue_dma source(%dma_start3A_95 : memref<2x80xi32, #tpu.memory_space<hbm>>) target(%arg7 : memref<2x80xi32, #tpu.memory_space<vmem>>) target_semaphore(%run_scoped3A_87 : memref<!tpu.dma_semaphore, #tpu.memory_space<semaphore_mem>>)
        %dma_wait3A_96 = arith.constant 0 : i32
        %dma_wait3A_97 = arith.constant 0 : i32
        %dma_wait3A_98 = tpu.memref_slice %arg3[%add3A_51, %dma_wait3A_96, %dma_wait3A_97] : memref<4000x2x80xi32, #tpu.memory_space<hbm>> -> memref<1x2x80xi32, #tpu.memory_space<hbm>>
        %dma_wait3A_99 = tpu.memref_squeeze %dma_wait3A_98 : memref<1x2x80xi32, #tpu.memory_space<hbm>> -> memref<2x80xi32, #tpu.memory_space<hbm>>
        %dma_wait3A_100 = arith.constant 0 : i32
        %dma_wait3A_101 = arith.constant 0 : i32
        %dma_wait3A_102 = tpu.memref_slice %arg3[%add3A_51, %dma_wait3A_100, %dma_wait3A_101] : memref<4000x2x80xi32, #tpu.memory_space<hbm>> -> memref<1x2x80xi32, #tpu.memory_space<hbm>>
        %dma_wait3A_103 = tpu.memref_squeeze %dma_wait3A_102 : memref<1x2x80xi32, #tpu.memory_space<hbm>> -> memref<2x80xi32, #tpu.memory_space<hbm>>
        tpu.wait_dma2 semaphore(%run_scoped3A_87 : memref<!tpu.dma_semaphore, #tpu.memory_space<semaphore_mem>>) src(%dma_wait3A_103 : memref<2x80xi32, #tpu.memory_space<hbm>>) dst(%arg7 : memref<2x80xi32, #tpu.memory_space<vmem>>)
        tpu.yield
      }) : () -> ()
      %dma_start3A_52 = arith.constant 0 : i32
      %dma_start3A_53 = arith.constant 0 : i32
      %dma_start3A_54 = tpu.memref_slice %arg7[%dma_start3A_52, %dma_start3A_53] : memref<2x80xi32, #tpu.memory_space<vmem>> -> memref<1x80xi32, #tpu.memory_space<vmem>>
      %dma_start3A_55 = tpu.memref_squeeze %dma_start3A_54 : memref<1x80xi32, #tpu.memory_space<vmem>> -> memref<80xi32, #tpu.memory_space<vmem>>
      %dma_start3A_56 = arith.constant 0 : i32
      %dma_start3A_57 = arith.constant 0 : i32
      %dma_start3A_58 = tpu.memref_slice %arg2[%dma_start3A_56, %dma_start3A_57] : memref<10000x128xf32, #tpu.memory_space<hbm>> -> memref<10000x128xf32, #tpu.memory_space<hbm>>
      tpu.enqueue_indirect_dma source(%dma_start3A_58 : memref<10000x128xf32, #tpu.memory_space<hbm>>) target(%arg9 : memref<80x128xf32, #tpu.memory_space<vmem>>) offsets(%dma_start3A_55 : memref<80xi32, #tpu.memory_space<vmem>>) semaphore(%arg12 : memref<!tpu.dma_semaphore, #tpu.memory_space<semaphore_mem>>)
      %dma_wait3A_59 = arith.constant 0 : i32
      %dma_wait3A_60 = arith.constant 0 : i32
      %dma_wait3A_61 = tpu.memref_slice %arg2[%dma_wait3A_59, %dma_wait3A_60] : memref<10000x128xf32, #tpu.memory_space<hbm>> -> memref<80x128xf32, #tpu.memory_space<hbm>>
      %dma_wait3A_62 = arith.constant 0 : i32
      %dma_wait3A_63 = arith.constant 0 : i32
      %dma_wait3A_64 = tpu.memref_slice %arg2[%dma_wait3A_62, %dma_wait3A_63] : memref<10000x128xf32, #tpu.memory_space<hbm>> -> memref<80x128xf32, #tpu.memory_space<hbm>>
      tpu.wait_dma2 semaphore(%arg11 : memref<!tpu.dma_semaphore, #tpu.memory_space<semaphore_mem>>) src(%dma_wait3A_64 : memref<80x128xf32, #tpu.memory_space<hbm>>) dst(%arg8 : memref<80x128xf32, #tpu.memory_space<vmem>>)
      %run_scoped3A_65 = arith.constant 1 : i32
      "tpu.region"() ({
        %run_scoped3A_87 = tpu.sem_alloc : memref<!tpu.dma_semaphore, #tpu.memory_space<semaphore_mem>>
        %dma_start3A_88 = arith.constant 0 : i32
        %dma_start3A_89 = tpu.memref_slice %arg6[%run_scoped3A_65, %dma_start3A_88] : memref<2x80xi32, #tpu.memory_space<vmem>> -> memref<1x80xi32, #tpu.memory_space<vmem>>
        %dma_start3A_90 = tpu.memref_squeeze %dma_start3A_89 : memref<1x80xi32, #tpu.memory_space<vmem>> -> memref<80xi32, #tpu.memory_space<vmem>>
        %dma_start3A_91 = arith.constant 0 : i32
        %dma_start3A_92 = arith.constant 0 : i32
        %dma_start3A_93 = tpu.memref_slice %arg10[%dma_start3A_91, %dma_start3A_92] : memref<10000x128xf32, #tpu.memory_space<vmem_shared>> -> memref<10000x128xf32, #tpu.memory_space<vmem_shared>>
        tpu.enqueue_indirect_dma source(%arg8 : memref<80x128xf32, #tpu.memory_space<vmem>>) target(%dma_start3A_93 : memref<10000x128xf32, #tpu.memory_space<vmem_shared>>) offsets(%dma_start3A_90 : memref<80xi32, #tpu.memory_space<vmem>>) semaphore(%run_scoped3A_87 : memref<!tpu.dma_semaphore, #tpu.memory_space<semaphore_mem>>) {add = true}
        %dma_wait3A_94 = arith.constant 0 : i32
        %dma_wait3A_95 = tpu.memref_slice %arg6[%run_scoped3A_65, %dma_wait3A_94] : memref<2x80xi32, #tpu.memory_space<vmem>> -> memref<1x80xi32, #tpu.memory_space<vmem>>
        %dma_wait3A_96 = tpu.memref_squeeze %dma_wait3A_95 : memref<1x80xi32, #tpu.memory_space<vmem>> -> memref<80xi32, #tpu.memory_space<vmem>>
        %dma_wait3A_97 = arith.constant 0 : i32
        %dma_wait3A_98 = arith.constant 0 : i32
        %dma_wait3A_99 = tpu.memref_slice %arg10[%dma_wait3A_97, %dma_wait3A_98] : memref<10000x128xf32, #tpu.memory_space<vmem_shared>> -> memref<10000x128xf32, #tpu.memory_space<vmem_shared>>
        tpu.wait_indirect_dma semaphore(%run_scoped3A_87 : memref<!tpu.dma_semaphore, #tpu.memory_space<semaphore_mem>>) src(%arg8 : memref<80x128xf32, #tpu.memory_space<vmem>>) dst(%dma_wait3A_99 : memref<10000x128xf32, #tpu.memory_space<vmem_shared>>)
        tpu.yield
      }) : () -> ()
      %mul3A_66 = arith.constant 2 : i32
      %mul3A_67 = arith.muli %scan3A_44, %mul3A_66 : i32
      %add3A_68 = arith.constant 1 : i32
      %add3A_69 = arith.addi %mul3A_67, %add3A_68 : i32
      %add3A_70 = arith.addi %mul3A_8, %add3A_69 : i32
      %add3A_71 = arith.constant 1 : i32
      %add3A_72 = arith.addi %add3A_70, %add3A_71 : i32
      "tpu.region"() ({
        %run_scoped3A_87 = tpu.sem_alloc : memref<!tpu.dma_semaphore, #tpu.memory_space<semaphore_mem>>
        %dma_start3A_88 = arith.constant 0 : i32
        %dma_start3A_89 = arith.constant 0 : i32
        %dma_start3A_90 = tpu.memref_slice %arg3[%add3A_72, %dma_start3A_88, %dma_start3A_89] : memref<4000x2x80xi32, #tpu.memory_space<hbm>> -> memref<1x2x80xi32, #tpu.memory_space<hbm>>
        %dma_start3A_91 = tpu.memref_squeeze %dma_start3A_90 : memref<1x2x80xi32, #tpu.memory_space<hbm>> -> memref<2x80xi32, #tpu.memory_space<hbm>>
        %dma_start3A_92 = arith.constant 0 : i32
        %dma_start3A_93 = arith.constant 0 : i32
        %dma_start3A_94 = tpu.memref_slice %arg3[%add3A_72, %dma_start3A_92, %dma_start3A_93] : memref<4000x2x80xi32, #tpu.memory_space<hbm>> -> memref<1x2x80xi32, #tpu.memory_space<hbm>>
        %dma_start3A_95 = tpu.memref_squeeze %dma_start3A_94 : memref<1x2x80xi32, #tpu.memory_space<hbm>> -> memref<2x80xi32, #tpu.memory_space<hbm>>
        tpu.enqueue_dma source(%dma_start3A_95 : memref<2x80xi32, #tpu.memory_space<hbm>>) target(%arg6 : memref<2x80xi32, #tpu.memory_space<vmem>>) target_semaphore(%run_scoped3A_87 : memref<!tpu.dma_semaphore, #tpu.memory_space<semaphore_mem>>)
        %dma_wait3A_96 = arith.constant 0 : i32
        %dma_wait3A_97 = arith.constant 0 : i32
        %dma_wait3A_98 = tpu.memref_slice %arg3[%add3A_72, %dma_wait3A_96, %dma_wait3A_97] : memref<4000x2x80xi32, #tpu.memory_space<hbm>> -> memref<1x2x80xi32, #tpu.memory_space<hbm>>
        %dma_wait3A_99 = tpu.memref_squeeze %dma_wait3A_98 : memref<1x2x80xi32, #tpu.memory_space<hbm>> -> memref<2x80xi32, #tpu.memory_space<hbm>>
        %dma_wait3A_100 = arith.constant 0 : i32
        %dma_wait3A_101 = arith.constant 0 : i32
        %dma_wait3A_102 = tpu.memref_slice %arg3[%add3A_72, %dma_wait3A_100, %dma_wait3A_101] : memref<4000x2x80xi32, #tpu.memory_space<hbm>> -> memref<1x2x80xi32, #tpu.memory_space<hbm>>
        %dma_wait3A_103 = tpu.memref_squeeze %dma_wait3A_102 : memref<1x2x80xi32, #tpu.memory_space<hbm>> -> memref<2x80xi32, #tpu.memory_space<hbm>>
        tpu.wait_dma2 semaphore(%run_scoped3A_87 : memref<!tpu.dma_semaphore, #tpu.memory_space<semaphore_mem>>) src(%dma_wait3A_103 : memref<2x80xi32, #tpu.memory_space<hbm>>) dst(%arg6 : memref<2x80xi32, #tpu.memory_space<vmem>>)
        tpu.yield
      }) : () -> ()
      %dma_start3A_73 = arith.constant 0 : i32
      %dma_start3A_74 = arith.constant 0 : i32
      %dma_start3A_75 = tpu.memref_slice %arg6[%dma_start3A_73, %dma_start3A_74] : memref<2x80xi32, #tpu.memory_space<vmem>> -> memref<1x80xi32, #tpu.memory_space<vmem>>
      %dma_start3A_76 = tpu.memref_squeeze %dma_start3A_75 : memref<1x80xi32, #tpu.memory_space<vmem>> -> memref<80xi32, #tpu.memory_space<vmem>>
      %dma_start3A_77 = arith.constant 0 : i32
      %dma_start3A_78 = arith.constant 0 : i32
      %dma_start3A_79 = tpu.memref_slice %arg2[%dma_start3A_77, %dma_start3A_78] : memref<10000x128xf32, #tpu.memory_space<hbm>> -> memref<10000x128xf32, #tpu.memory_space<hbm>>
      tpu.enqueue_indirect_dma source(%dma_start3A_79 : memref<10000x128xf32, #tpu.memory_space<hbm>>) target(%arg8 : memref<80x128xf32, #tpu.memory_space<vmem>>) offsets(%dma_start3A_76 : memref<80xi32, #tpu.memory_space<vmem>>) semaphore(%arg11 : memref<!tpu.dma_semaphore, #tpu.memory_space<semaphore_mem>>)
      %dma_wait3A_80 = arith.constant 0 : i32
      %dma_wait3A_81 = arith.constant 0 : i32
      %dma_wait3A_82 = tpu.memref_slice %arg2[%dma_wait3A_80, %dma_wait3A_81] : memref<10000x128xf32, #tpu.memory_space<hbm>> -> memref<80x128xf32, #tpu.memory_space<hbm>>
      %dma_wait3A_83 = arith.constant 0 : i32
      %dma_wait3A_84 = arith.constant 0 : i32
      %dma_wait3A_85 = tpu.memref_slice %arg2[%dma_wait3A_83, %dma_wait3A_84] : memref<10000x128xf32, #tpu.memory_space<hbm>> -> memref<80x128xf32, #tpu.memory_space<hbm>>
      tpu.wait_dma2 semaphore(%arg12 : memref<!tpu.dma_semaphore, #tpu.memory_space<semaphore_mem>>) src(%dma_wait3A_85 : memref<80x128xf32, #tpu.memory_space<hbm>>) dst(%arg9 : memref<80x128xf32, #tpu.memory_space<vmem>>)
      %run_scoped3A_86 = arith.constant 1 : i32
      "tpu.region"() ({
        %run_scoped3A_87 = tpu.sem_alloc : memref<!tpu.dma_semaphore, #tpu.memory_space<semaphore_mem>>
        %dma_start3A_88 = arith.constant 0 : i32
        %dma_start3A_89 = tpu.memref_slice %arg7[%run_scoped3A_86, %dma_start3A_88] : memref<2x80xi32, #tpu.memory_space<vmem>> -> memref<1x80xi32, #tpu.memory_space<vmem>>
        %dma_start3A_90 = tpu.memref_squeeze %dma_start3A_89 : memref<1x80xi32, #tpu.memory_space<vmem>> -> memref<80xi32, #tpu.memory_space<vmem>>
        %dma_start3A_91 = arith.constant 0 : i32
        %dma_start3A_92 = arith.constant 0 : i32
        %dma_start3A_93 = tpu.memref_slice %arg10[%dma_start3A_91, %dma_start3A_92] : memref<10000x128xf32, #tpu.memory_space<vmem_shared>> -> memref<10000x128xf32, #tpu.memory_space<vmem_shared>>
        tpu.enqueue_indirect_dma source(%arg9 : memref<80x128xf32, #tpu.memory_space<vmem>>) target(%dma_start3A_93 : memref<10000x128xf32, #tpu.memory_space<vmem_shared>>) offsets(%dma_start3A_90 : memref<80xi32, #tpu.memory_space<vmem>>) semaphore(%run_scoped3A_87 : memref<!tpu.dma_semaphore, #tpu.memory_space<semaphore_mem>>) {add = true}
        %dma_wait3A_94 = arith.constant 0 : i32
        %dma_wait3A_95 = tpu.memref_slice %arg7[%run_scoped3A_86, %dma_wait3A_94] : memref<2x80xi32, #tpu.memory_space<vmem>> -> memref<1x80xi32, #tpu.memory_space<vmem>>
        %dma_wait3A_96 = tpu.memref_squeeze %dma_wait3A_95 : memref<1x80xi32, #tpu.memory_space<vmem>> -> memref<80xi32, #tpu.memory_space<vmem>>
        %dma_wait3A_97 = arith.constant 0 : i32
        %dma_wait3A_98 = arith.constant 0 : i32
        %dma_wait3A_99 = tpu.memref_slice %arg10[%dma_wait3A_97, %dma_wait3A_98] : memref<10000x128xf32, #tpu.memory_space<vmem_shared>> -> memref<10000x128xf32, #tpu.memory_space<vmem_shared>>
        tpu.wait_indirect_dma semaphore(%run_scoped3A_87 : memref<!tpu.dma_semaphore, #tpu.memory_space<semaphore_mem>>) src(%arg9 : memref<80x128xf32, #tpu.memory_space<vmem>>) dst(%dma_wait3A_99 : memref<10000x128xf32, #tpu.memory_space<vmem_shared>>)
        tpu.yield
      }) : () -> ()
    }
    %scan3A_19 = arith.constant 62 : i32
    %scan3A_20 = arith.constant 0 : i32
    %scan3A_21 = arith.constant 124 : i32
    %dma_wait3A = arith.constant 0 : i32
    %dma_wait3A_22 = arith.constant 0 : i32
    %dma_wait3A_23 = tpu.memref_slice %arg2[%dma_wait3A, %dma_wait3A_22] : memref<10000x128xf32, #tpu.memory_space<hbm>> -> memref<80x128xf32, #tpu.memory_space<hbm>>
    %dma_wait3A_24 = arith.constant 0 : i32
    %dma_wait3A_25 = arith.constant 0 : i32
    %dma_wait3A_26 = tpu.memref_slice %arg2[%dma_wait3A_24, %dma_wait3A_25] : memref<10000x128xf32, #tpu.memory_space<hbm>> -> memref<80x128xf32, #tpu.memory_space<hbm>>
    tpu.wait_dma2 semaphore(%arg11 : memref<!tpu.dma_semaphore, #tpu.memory_space<semaphore_mem>>) src(%dma_wait3A_26 : memref<80x128xf32, #tpu.memory_space<hbm>>) dst(%arg8 : memref<80x128xf32, #tpu.memory_space<vmem>>)
    %run_scoped3A = arith.constant 1 : i32
    "tpu.region"() ({
      %run_scoped3A_44 = tpu.sem_alloc : memref<!tpu.dma_semaphore, #tpu.memory_space<semaphore_mem>>
      %dma_start3A_45 = arith.constant 0 : i32
      %dma_start3A_46 = tpu.memref_slice %arg6[%run_scoped3A, %dma_start3A_45] : memref<2x80xi32, #tpu.memory_space<vmem>> -> memref<1x80xi32, #tpu.memory_space<vmem>>
      %dma_start3A_47 = tpu.memref_squeeze %dma_start3A_46 : memref<1x80xi32, #tpu.memory_space<vmem>> -> memref<80xi32, #tpu.memory_space<vmem>>
      %dma_start3A_48 = arith.constant 0 : i32
      %dma_start3A_49 = arith.constant 0 : i32
      %dma_start3A_50 = tpu.memref_slice %arg10[%dma_start3A_48, %dma_start3A_49] : memref<10000x128xf32, #tpu.memory_space<vmem_shared>> -> memref<10000x128xf32, #tpu.memory_space<vmem_shared>>
      tpu.enqueue_indirect_dma source(%arg8 : memref<80x128xf32, #tpu.memory_space<vmem>>) target(%dma_start3A_50 : memref<10000x128xf32, #tpu.memory_space<vmem_shared>>) offsets(%dma_start3A_47 : memref<80xi32, #tpu.memory_space<vmem>>) semaphore(%run_scoped3A_44 : memref<!tpu.dma_semaphore, #tpu.memory_space<semaphore_mem>>) {add = true}
      %dma_wait3A_51 = arith.constant 0 : i32
      %dma_wait3A_52 = tpu.memref_slice %arg6[%run_scoped3A, %dma_wait3A_51] : memref<2x80xi32, #tpu.memory_space<vmem>> -> memref<1x80xi32, #tpu.memory_space<vmem>>
      %dma_wait3A_53 = tpu.memref_squeeze %dma_wait3A_52 : memref<1x80xi32, #tpu.memory_space<vmem>> -> memref<80xi32, #tpu.memory_space<vmem>>
      %dma_wait3A_54 = arith.constant 0 : i32
      %dma_wait3A_55 = arith.constant 0 : i32
      %dma_wait3A_56 = tpu.memref_slice %arg10[%dma_wait3A_54, %dma_wait3A_55] : memref<10000x128xf32, #tpu.memory_space<vmem_shared>> -> memref<10000x128xf32, #tpu.memory_space<vmem_shared>>
      tpu.wait_indirect_dma semaphore(%run_scoped3A_44 : memref<!tpu.dma_semaphore, #tpu.memory_space<semaphore_mem>>) src(%arg8 : memref<80x128xf32, #tpu.memory_space<vmem>>) dst(%dma_wait3A_56 : memref<10000x128xf32, #tpu.memory_space<vmem_shared>>)
      tpu.yield
    }) : () -> ()
    %add3A_27 = arith.constant 1 : i32
    %add3A_28 = arith.addi %scan3A_21, %add3A_27 : i32
    %lt3A = arith.constant 125 : i32
    %lt3A_29 = arith.cmpi slt, %add3A_28, %lt3A : i32
    %convert_element_type3A_30 = arith.extui %lt3A_29 : i1 to i32
    %cond3A_31 = arith.constant 0 : i32
    %cond3A_32 = arith.cmpi ne, %convert_element_type3A_30, %cond3A_31 : i32
    scf.if %cond3A_32 {
      %add3A_44 = arith.addi %mul3A_8, %scan3A_21 : i32
      %add3A_45 = arith.constant 1 : i32
      %add3A_46 = arith.addi %add3A_44, %add3A_45 : i32
      "tpu.region"() ({
        %run_scoped3A_54 = tpu.sem_alloc : memref<!tpu.dma_semaphore, #tpu.memory_space<semaphore_mem>>
        %dma_start3A_55 = arith.constant 0 : i32
        %dma_start3A_56 = arith.constant 0 : i32
        %dma_start3A_57 = tpu.memref_slice %arg3[%add3A_46, %dma_start3A_55, %dma_start3A_56] : memref<4000x2x80xi32, #tpu.memory_space<hbm>> -> memref<1x2x80xi32, #tpu.memory_space<hbm>>
        %dma_start3A_58 = tpu.memref_squeeze %dma_start3A_57 : memref<1x2x80xi32, #tpu.memory_space<hbm>> -> memref<2x80xi32, #tpu.memory_space<hbm>>
        %dma_start3A_59 = arith.constant 0 : i32
        %dma_start3A_60 = arith.constant 0 : i32
        %dma_start3A_61 = tpu.memref_slice %arg3[%add3A_46, %dma_start3A_59, %dma_start3A_60] : memref<4000x2x80xi32, #tpu.memory_space<hbm>> -> memref<1x2x80xi32, #tpu.memory_space<hbm>>
        %dma_start3A_62 = tpu.memref_squeeze %dma_start3A_61 : memref<1x2x80xi32, #tpu.memory_space<hbm>> -> memref<2x80xi32, #tpu.memory_space<hbm>>
        tpu.enqueue_dma source(%dma_start3A_62 : memref<2x80xi32, #tpu.memory_space<hbm>>) target(%arg6 : memref<2x80xi32, #tpu.memory_space<vmem>>) target_semaphore(%run_scoped3A_54 : memref<!tpu.dma_semaphore, #tpu.memory_space<semaphore_mem>>)
        %dma_wait3A_63 = arith.constant 0 : i32
        %dma_wait3A_64 = arith.constant 0 : i32
        %dma_wait3A_65 = tpu.memref_slice %arg3[%add3A_46, %dma_wait3A_63, %dma_wait3A_64] : memref<4000x2x80xi32, #tpu.memory_space<hbm>> -> memref<1x2x80xi32, #tpu.memory_space<hbm>>
        %dma_wait3A_66 = tpu.memref_squeeze %dma_wait3A_65 : memref<1x2x80xi32, #tpu.memory_space<hbm>> -> memref<2x80xi32, #tpu.memory_space<hbm>>
        %dma_wait3A_67 = arith.constant 0 : i32
        %dma_wait3A_68 = arith.constant 0 : i32
        %dma_wait3A_69 = tpu.memref_slice %arg3[%add3A_46, %dma_wait3A_67, %dma_wait3A_68] : memref<4000x2x80xi32, #tpu.memory_space<hbm>> -> memref<1x2x80xi32, #tpu.memory_space<hbm>>
        %dma_wait3A_70 = tpu.memref_squeeze %dma_wait3A_69 : memref<1x2x80xi32, #tpu.memory_space<hbm>> -> memref<2x80xi32, #tpu.memory_space<hbm>>
        tpu.wait_dma2 semaphore(%run_scoped3A_54 : memref<!tpu.dma_semaphore, #tpu.memory_space<semaphore_mem>>) src(%dma_wait3A_70 : memref<2x80xi32, #tpu.memory_space<hbm>>) dst(%arg6 : memref<2x80xi32, #tpu.memory_space<vmem>>)
        tpu.yield
      }) : () -> ()
      %dma_start3A_47 = arith.constant 0 : i32
      %dma_start3A_48 = arith.constant 0 : i32
      %dma_start3A_49 = tpu.memref_slice %arg6[%dma_start3A_47, %dma_start3A_48] : memref<2x80xi32, #tpu.memory_space<vmem>> -> memref<1x80xi32, #tpu.memory_space<vmem>>
      %dma_start3A_50 = tpu.memref_squeeze %dma_start3A_49 : memref<1x80xi32, #tpu.memory_space<vmem>> -> memref<80xi32, #tpu.memory_space<vmem>>
      %dma_start3A_51 = arith.constant 0 : i32
      %dma_start3A_52 = arith.constant 0 : i32
      %dma_start3A_53 = tpu.memref_slice %arg2[%dma_start3A_51, %dma_start3A_52] : memref<10000x128xf32, #tpu.memory_space<hbm>> -> memref<10000x128xf32, #tpu.memory_space<hbm>>
      tpu.enqueue_indirect_dma source(%dma_start3A_53 : memref<10000x128xf32, #tpu.memory_space<hbm>>) target(%arg8 : memref<80x128xf32, #tpu.memory_space<vmem>>) offsets(%dma_start3A_50 : memref<80xi32, #tpu.memory_space<vmem>>) semaphore(%arg11 : memref<!tpu.dma_semaphore, #tpu.memory_space<semaphore_mem>>)
    } else {
    }
    %scan3A_33 = arith.constant 1 : i32
    %barrier3A_34 = arith.constant 0 : index
    tpu.barrier barrier_id(%barrier3A_34)
    %mul3A_35 = arith.constant 624 : i32
    %mul3A_36 = arith.muli %arg1, %mul3A_35 : i32
    %mul3A_37 = arith.constant 624 : i32
    %mul3A_38 = arith.muli %arg1, %mul3A_37 : i32
    "tpu.region"() ({
      %run_scoped3A_44 = tpu.sem_alloc : memref<!tpu.dma_semaphore, #tpu.memory_space<semaphore_mem>>
      %dma_start3A_45 = arith.constant 0 : i32
      %dma_start3A_46 = tpu.memref_slice %arg5[%arg0, %mul3A_38, %dma_start3A_45] : memref<2x10000x128xf32, #tpu.memory_space<hbm>> -> memref<1x624x128xf32, #tpu.memory_space<hbm>>
      %dma_start3A_47 = tpu.memref_squeeze %dma_start3A_46 : memref<1x624x128xf32, #tpu.memory_space<hbm>> -> memref<624x128xf32, #tpu.memory_space<hbm>>
      %dma_start3A_48 = arith.constant 0 : i32
      %dma_start3A_49 = tpu.memref_slice %arg10[%mul3A_36, %dma_start3A_48] : memref<10000x128xf32, #tpu.memory_space<vmem_shared>> -> memref<624x128xf32, #tpu.memory_space<vmem_shared>>
      tpu.enqueue_dma source(%dma_start3A_49 : memref<624x128xf32, #tpu.memory_space<vmem_shared>>) target(%dma_start3A_47 : memref<624x128xf32, #tpu.memory_space<hbm>>) target_semaphore(%run_scoped3A_44 : memref<!tpu.dma_semaphore, #tpu.memory_space<semaphore_mem>>)
      %dma_wait3A_50 = arith.constant 0 : i32
      %dma_wait3A_51 = tpu.memref_slice %arg5[%arg0, %mul3A_38, %dma_wait3A_50] : memref<2x10000x128xf32, #tpu.memory_space<hbm>> -> memref<1x624x128xf32, #tpu.memory_space<hbm>>
      %dma_wait3A_52 = tpu.memref_squeeze %dma_wait3A_51 : memref<1x624x128xf32, #tpu.memory_space<hbm>> -> memref<624x128xf32, #tpu.memory_space<hbm>>
      %dma_wait3A_53 = arith.constant 0 : i32
      %dma_wait3A_54 = tpu.memref_slice %arg10[%mul3A_36, %dma_wait3A_53] : memref<10000x128xf32, #tpu.memory_space<vmem_shared>> -> memref<624x128xf32, #tpu.memory_space<vmem_shared>>
      tpu.wait_dma2 semaphore(%run_scoped3A_44 : memref<!tpu.dma_semaphore, #tpu.memory_space<semaphore_mem>>) src(%dma_wait3A_54 : memref<624x128xf32, #tpu.memory_space<vmem_shared>>) dst(%dma_wait3A_52 : memref<624x128xf32, #tpu.memory_space<hbm>>)
      tpu.yield
    }) : () -> ()
    %eq3A_39 = arith.constant 15 : i32
    %eq3A_40 = arith.cmpi eq, %arg1, %eq3A_39 : i32
    %convert_element_type3A_41 = arith.extui %eq3A_40 : i1 to i32
    %cond3A_42 = arith.constant 0 : i32
    %cond3A_43 = arith.cmpi ne, %convert_element_type3A_41, %cond3A_42 : i32
    scf.if %cond3A_43 {
      "tpu.region"() ({
        %run_scoped3A_44 = tpu.sem_alloc : memref<!tpu.dma_semaphore, #tpu.memory_space<semaphore_mem>>
        %dma_start3A_45 = arith.constant 9984 : i32
        %dma_start3A_46 = arith.constant 0 : i32
        %dma_start3A_47 = tpu.memref_slice %arg5[%arg0, %dma_start3A_45, %dma_start3A_46] : memref<2x10000x128xf32, #tpu.memory_space<hbm>> -> memref<1x16x128xf32, #tpu.memory_space<hbm>>
        %dma_start3A_48 = tpu.memref_squeeze %dma_start3A_47 : memref<1x16x128xf32, #tpu.memory_space<hbm>> -> memref<16x128xf32, #tpu.memory_space<hbm>>
        %dma_start3A_49 = arith.constant 9984 : i32
        %dma_start3A_50 = arith.constant 0 : i32
        %dma_start3A_51 = tpu.memref_slice %arg10[%dma_start3A_49, %dma_start3A_50] : memref<10000x128xf32, #tpu.memory_space<vmem_shared>> -> memref<16x128xf32, #tpu.memory_space<vmem_shared>>
        tpu.enqueue_dma source(%dma_start3A_51 : memref<16x128xf32, #tpu.memory_space<vmem_shared>>) target(%dma_start3A_48 : memref<16x128xf32, #tpu.memory_space<hbm>>) target_semaphore(%run_scoped3A_44 : memref<!tpu.dma_semaphore, #tpu.memory_space<semaphore_mem>>)
        %dma_wait3A_52 = arith.constant 9984 : i32
        %dma_wait3A_53 = arith.constant 0 : i32
        %dma_wait3A_54 = tpu.memref_slice %arg5[%arg0, %dma_wait3A_52, %dma_wait3A_53] : memref<2x10000x128xf32, #tpu.memory_space<hbm>> -> memref<1x16x128xf32, #tpu.memory_space<hbm>>
        %dma_wait3A_55 = tpu.memref_squeeze %dma_wait3A_54 : memref<1x16x128xf32, #tpu.memory_space<hbm>> -> memref<16x128xf32, #tpu.memory_space<hbm>>
        %dma_wait3A_56 = arith.constant 9984 : i32
        %dma_wait3A_57 = arith.constant 0 : i32
        %dma_wait3A_58 = tpu.memref_slice %arg10[%dma_wait3A_56, %dma_wait3A_57] : memref<10000x128xf32, #tpu.memory_space<vmem_shared>> -> memref<16x128xf32, #tpu.memory_space<vmem_shared>>
        tpu.wait_dma2 semaphore(%run_scoped3A_44 : memref<!tpu.dma_semaphore, #tpu.memory_space<semaphore_mem>>) src(%dma_wait3A_58 : memref<16x128xf32, #tpu.memory_space<vmem_shared>>) dst(%dma_wait3A_55 : memref<16x128xf32, #tpu.memory_space<hbm>>)
        tpu.yield
      }) : () -> ()
    } else {
    }
    return
  }
}

#map = affine_map<(d0, d1) -> (0, 0)>
#map1 = affine_map<(d0, d1) -> (0, 0, 0)>
module attributes {stable_mosaic.version = 14 : i64} {
  func.func @k(%arg0: i32, %arg1: i32, %arg2: memref<10000x128xf32, #tpu.memory_space<hbm>>, %arg3: memref<4000x2x80xi32, #tpu.memory_space<hbm>>, %arg4: memref<10000x128xf32, #tpu.memory_space<hbm>>, %arg5: memref<2x10000x128xf32, #tpu.memory_space<hbm>>, %arg6: memref<2x80xi32, #tpu.memory_space<vmem>>, %arg7: memref<2x80xi32, #tpu.memory_space<vmem>>, %arg8: memref<80x128xf32, #tpu.memory_space<vmem>>, %arg9: memref<80x128xf32, #tpu.memory_space<vmem>>, %arg10: memref<10000x128xf32, #tpu.memory_space<vmem_shared>>, %arg11: memref<!tpu.dma_semaphore, #tpu.memory_space<semaphore_mem>>, %arg12: memref<!tpu.dma_semaphore, #tpu.memory_space<semaphore_mem>>) attributes {dimension_semantics = [#tpu.dimension_semantics<core_parallel>, #tpu.dimension_semantics<subcore_parallel>], iteration_bounds = array<i64: 2, 16>, scalar_prefetch = 0 : i64, scratch_operands = 7 : i64, tpu.core_type = #tpu.core_type<sc_vector_subcore>, window_params = [{transform_indices = #map}, {transform_indices = #map1}, {transform_indices = #map}, {transform_indices = #map1}]} {
    %mul3A = arith.constant 624 : i32
    %mul3A_0 = arith.muli %arg1, %mul3A : i32
    %mul3A_1 = arith.constant 624 : i32
    %mul3A_2 = arith.muli %arg1, %mul3A_1 : i32
    "tpu.region"() ({
      %run_scoped3A_44 = tpu.sem_alloc : memref<!tpu.dma_semaphore, #tpu.memory_space<semaphore_mem>>
      %dma_start3A_45 = arith.constant 0 : i32
      %dma_start3A_46 = tpu.memref_slice %arg10[%mul3A_2, %dma_start3A_45] : memref<10000x128xf32, #tpu.memory_space<vmem_shared>> -> memref<624x128xf32, #tpu.memory_space<vmem_shared>>
      %dma_start3A_47 = arith.constant 0 : i32
      %dma_start3A_48 = tpu.memref_slice %arg4[%mul3A_0, %dma_start3A_47] : memref<10000x128xf32, #tpu.memory_space<hbm>> -> memref<624x128xf32, #tpu.memory_space<hbm>>
      tpu.enqueue_dma source(%dma_start3A_48 : memref<624x128xf32, #tpu.memory_space<hbm>>) target(%dma_start3A_46 : memref<624x128xf32, #tpu.memory_space<vmem_shared>>) target_semaphore(%run_scoped3A_44 : memref<!tpu.dma_semaphore, #tpu.memory_space<semaphore_mem>>)
      %dma_wait3A_49 = arith.constant 0 : i32
      %dma_wait3A_50 = tpu.memref_slice %arg10[%mul3A_2, %dma_wait3A_49] : memref<10000x128xf32, #tpu.memory_space<vmem_shared>> -> memref<624x128xf32, #tpu.memory_space<vmem_shared>>
      %dma_wait3A_51 = arith.constant 0 : i32
      %dma_wait3A_52 = tpu.memref_slice %arg4[%mul3A_0, %dma_wait3A_51] : memref<10000x128xf32, #tpu.memory_space<hbm>> -> memref<624x128xf32, #tpu.memory_space<hbm>>
      tpu.wait_dma2 semaphore(%run_scoped3A_44 : memref<!tpu.dma_semaphore, #tpu.memory_space<semaphore_mem>>) src(%dma_wait3A_52 : memref<624x128xf32, #tpu.memory_space<hbm>>) dst(%dma_wait3A_50 : memref<624x128xf32, #tpu.memory_space<vmem_shared>>)
      tpu.yield
    }) : () -> ()
    %eq3A = arith.constant 15 : i32
    %eq3A_3 = arith.cmpi eq, %arg1, %eq3A : i32
    %convert_element_type3A = arith.extui %eq3A_3 : i1 to i32
    %cond3A = arith.constant 0 : i32
    %cond3A_4 = arith.cmpi ne, %convert_element_type3A, %cond3A : i32
    scf.if %cond3A_4 {
      "tpu.region"() ({
        %run_scoped3A_44 = tpu.sem_alloc : memref<!tpu.dma_semaphore, #tpu.memory_space<semaphore_mem>>
        %dma_start3A_45 = arith.constant 9984 : i32
        %dma_start3A_46 = arith.constant 0 : i32
        %dma_start3A_47 = tpu.memref_slice %arg10[%dma_start3A_45, %dma_start3A_46] : memref<10000x128xf32, #tpu.memory_space<vmem_shared>> -> memref<16x128xf32, #tpu.memory_space<vmem_shared>>
        %dma_start3A_48 = arith.constant 9984 : i32
        %dma_start3A_49 = arith.constant 0 : i32
        %dma_start3A_50 = tpu.memref_slice %arg4[%dma_start3A_48, %dma_start3A_49] : memref<10000x128xf32, #tpu.memory_space<hbm>> -> memref<16x128xf32, #tpu.memory_space<hbm>>
        tpu.enqueue_dma source(%dma_start3A_50 : memref<16x128xf32, #tpu.memory_space<hbm>>) target(%dma_start3A_47 : memref<16x128xf32, #tpu.memory_space<vmem_shared>>) target_semaphore(%run_scoped3A_44 : memref<!tpu.dma_semaphore, #tpu.memory_space<semaphore_mem>>)
        %dma_wait3A_51 = arith.constant 9984 : i32
        %dma_wait3A_52 = arith.constant 0 : i32
        %dma_wait3A_53 = tpu.memref_slice %arg10[%dma_wait3A_51, %dma_wait3A_52] : memref<10000x128xf32, #tpu.memory_space<vmem_shared>> -> memref<16x128xf32, #tpu.memory_space<vmem_shared>>
        %dma_wait3A_54 = arith.constant 9984 : i32
        %dma_wait3A_55 = arith.constant 0 : i32
        %dma_wait3A_56 = tpu.memref_slice %arg4[%dma_wait3A_54, %dma_wait3A_55] : memref<10000x128xf32, #tpu.memory_space<hbm>> -> memref<16x128xf32, #tpu.memory_space<hbm>>
        tpu.wait_dma2 semaphore(%run_scoped3A_44 : memref<!tpu.dma_semaphore, #tpu.memory_space<semaphore_mem>>) src(%dma_wait3A_56 : memref<16x128xf32, #tpu.memory_space<hbm>>) dst(%dma_wait3A_53 : memref<16x128xf32, #tpu.memory_space<vmem_shared>>)
        tpu.yield
      }) : () -> ()
    } else {
    }
    %barrier3A = arith.constant 0 : index
    tpu.barrier barrier_id(%barrier3A)
    %mul3A_5 = arith.constant 16 : i32
    %mul3A_6 = arith.muli %arg0, %mul3A_5 : i32
    %add3A = arith.addi %mul3A_6, %arg1 : i32
    %mul3A_7 = arith.constant 125 : i32
    %mul3A_8 = arith.muli %add3A, %mul3A_7 : i32
    "tpu.region"() ({
      %run_scoped3A_44 = tpu.sem_alloc : memref<!tpu.dma_semaphore, #tpu.memory_space<semaphore_mem>>
      %dma_start3A_45 = arith.constant 0 : i32
      %dma_start3A_46 = arith.constant 0 : i32
      %dma_start3A_47 = tpu.memref_slice %arg3[%mul3A_8, %dma_start3A_45, %dma_start3A_46] : memref<4000x2x80xi32, #tpu.memory_space<hbm>> -> memref<1x2x80xi32, #tpu.memory_space<hbm>>
      %dma_start3A_48 = tpu.memref_squeeze %dma_start3A_47 : memref<1x2x80xi32, #tpu.memory_space<hbm>> -> memref<2x80xi32, #tpu.memory_space<hbm>>
      %dma_start3A_49 = arith.constant 0 : i32
      %dma_start3A_50 = arith.constant 0 : i32
      %dma_start3A_51 = tpu.memref_slice %arg3[%mul3A_8, %dma_start3A_49, %dma_start3A_50] : memref<4000x2x80xi32, #tpu.memory_space<hbm>> -> memref<1x2x80xi32, #tpu.memory_space<hbm>>
      %dma_start3A_52 = tpu.memref_squeeze %dma_start3A_51 : memref<1x2x80xi32, #tpu.memory_space<hbm>> -> memref<2x80xi32, #tpu.memory_space<hbm>>
      tpu.enqueue_dma source(%dma_start3A_52 : memref<2x80xi32, #tpu.memory_space<hbm>>) target(%arg6 : memref<2x80xi32, #tpu.memory_space<vmem>>) target_semaphore(%run_scoped3A_44 : memref<!tpu.dma_semaphore, #tpu.memory_space<semaphore_mem>>)
      %dma_wait3A_53 = arith.constant 0 : i32
      %dma_wait3A_54 = arith.constant 0 : i32
      %dma_wait3A_55 = tpu.memref_slice %arg3[%mul3A_8, %dma_wait3A_53, %dma_wait3A_54] : memref<4000x2x80xi32, #tpu.memory_space<hbm>> -> memref<1x2x80xi32, #tpu.memory_space<hbm>>
      %dma_wait3A_56 = tpu.memref_squeeze %dma_wait3A_55 : memref<1x2x80xi32, #tpu.memory_space<hbm>> -> memref<2x80xi32, #tpu.memory_space<hbm>>
      %dma_wait3A_57 = arith.constant 0 : i32
      %dma_wait3A_58 = arith.constant 0 : i32
      %dma_wait3A_59 = tpu.memref_slice %arg3[%mul3A_8, %dma_wait3A_57, %dma_wait3A_58] : memref<4000x2x80xi32, #tpu.memory_space<hbm>> -> memref<1x2x80xi32, #tpu.memory_space<hbm>>
      %dma_wait3A_60 = tpu.memref_squeeze %dma_wait3A_59 : memref<1x2x80xi32, #tpu.memory_space<hbm>> -> memref<2x80xi32, #tpu.memory_space<hbm>>
      tpu.wait_dma2 semaphore(%run_scoped3A_44 : memref<!tpu.dma_semaphore, #tpu.memory_space<semaphore_mem>>) src(%dma_wait3A_60 : memref<2x80xi32, #tpu.memory_space<hbm>>) dst(%arg6 : memref<2x80xi32, #tpu.memory_space<vmem>>)
      tpu.yield
    }) : () -> ()
    %dma_start3A = arith.constant 0 : i32
    %dma_start3A_9 = arith.constant 0 : i32
    %dma_start3A_10 = tpu.memref_slice %arg6[%dma_start3A, %dma_start3A_9] : memref<2x80xi32, #tpu.memory_space<vmem>> -> memref<1x80xi32, #tpu.memory_space<vmem>>
    %dma_start3A_11 = tpu.memref_squeeze %dma_start3A_10 : memref<1x80xi32, #tpu.memory_space<vmem>> -> memref<80xi32, #tpu.memory_space<vmem>>
    %dma_start3A_12 = arith.constant 0 : i32
    %dma_start3A_13 = arith.constant 0 : i32
    %dma_start3A_14 = tpu.memref_slice %arg2[%dma_start3A_12, %dma_start3A_13] : memref<10000x128xf32, #tpu.memory_space<hbm>> -> memref<10000x128xf32, #tpu.memory_space<hbm>>
    tpu.enqueue_indirect_dma source(%dma_start3A_14 : memref<10000x128xf32, #tpu.memory_space<hbm>>) target(%arg8 : memref<80x128xf32, #tpu.memory_space<vmem>>) offsets(%dma_start3A_11 : memref<80xi32, #tpu.memory_space<vmem>>) semaphore(%arg11 : memref<!tpu.dma_semaphore, #tpu.memory_space<semaphore_mem>>)
    %scan3A = arith.constant 0 : i32
    %scan3A_15 = arith.constant 0 : i32
    %scan3A_16 = arith.constant 62 : i32
    %scan3A_17 = arith.addi %scan3A_15, %scan3A_16 : i32
    %scan3A_18 = arith.constant 1 : i32
    scf.for %scan3A_44 = %scan3A_15 to %scan3A_17 step %scan3A_18  : i32 {
      %mul3A_45 = arith.constant 2 : i32
      %mul3A_46 = arith.muli %scan3A_44, %mul3A_45 : i32
      %add3A_47 = arith.constant 0 : i32
      %add3A_48 = arith.addi %mul3A_46, %add3A_47 : i32
      %add3A_49 = arith.addi %mul3A_8, %add3A_48 : i32
      %add3A_50 = arith.constant 1 : i32
      %add3A_51 = arith.addi %add3A_49, %add3A_50 : i32
      "tpu.region"() ({
        %run_scoped3A_87 = tpu.sem_alloc : memref<!tpu.dma_semaphore, #tpu.memory_space<semaphore_mem>>
        %dma_start3A_88 = arith.constant 0 : i32
        %dma_start3A_89 = arith.constant 0 : i32
        %dma_start3A_90 = tpu.memref_slice %arg3[%add3A_51, %dma_start3A_88, %dma_start3A_89] : memref<4000x2x80xi32, #tpu.memory_space<hbm>> -> memref<1x2x80xi32, #tpu.memory_space<hbm>>
        %dma_start3A_91 = tpu.memref_squeeze %dma_start3A_90 : memref<1x2x80xi32, #tpu.memory_space<hbm>> -> memref<2x80xi32, #tpu.memory_space<hbm>>
        %dma_start3A_92 = arith.constant 0 : i32
        %dma_start3A_93 = arith.constant 0 : i32
        %dma_start3A_94 = tpu.memref_slice %arg3[%add3A_51, %dma_start3A_92, %dma_start3A_93] : memref<4000x2x80xi32, #tpu.memory_space<hbm>> -> memref<1x2x80xi32, #tpu.memory_space<hbm>>
        %dma_start3A_95 = tpu.memref_squeeze %dma_start3A_94 : memref<1x2x80xi32, #tpu.memory_space<hbm>> -> memref<2x80xi32, #tpu.memory_space<hbm>>
        tpu.enqueue_dma source(%dma_start3A_95 : memref<2x80xi32, #tpu.memory_space<hbm>>) target(%arg7 : memref<2x80xi32, #tpu.memory_space<vmem>>) target_semaphore(%run_scoped3A_87 : memref<!tpu.dma_semaphore, #tpu.memory_space<semaphore_mem>>)
        %dma_wait3A_96 = arith.constant 0 : i32
        %dma_wait3A_97 = arith.constant 0 : i32
        %dma_wait3A_98 = tpu.memref_slice %arg3[%add3A_51, %dma_wait3A_96, %dma_wait3A_97] : memref<4000x2x80xi32, #tpu.memory_space<hbm>> -> memref<1x2x80xi32, #tpu.memory_space<hbm>>
        %dma_wait3A_99 = tpu.memref_squeeze %dma_wait3A_98 : memref<1x2x80xi32, #tpu.memory_space<hbm>> -> memref<2x80xi32, #tpu.memory_space<hbm>>
        %dma_wait3A_100 = arith.constant 0 : i32
        %dma_wait3A_101 = arith.constant 0 : i32
        %dma_wait3A_102 = tpu.memref_slice %arg3[%add3A_51, %dma_wait3A_100, %dma_wait3A_101] : memref<4000x2x80xi32, #tpu.memory_space<hbm>> -> memref<1x2x80xi32, #tpu.memory_space<hbm>>
        %dma_wait3A_103 = tpu.memref_squeeze %dma_wait3A_102 : memref<1x2x80xi32, #tpu.memory_space<hbm>> -> memref<2x80xi32, #tpu.memory_space<hbm>>
        tpu.wait_dma2 semaphore(%run_scoped3A_87 : memref<!tpu.dma_semaphore, #tpu.memory_space<semaphore_mem>>) src(%dma_wait3A_103 : memref<2x80xi32, #tpu.memory_space<hbm>>) dst(%arg7 : memref<2x80xi32, #tpu.memory_space<vmem>>)
        tpu.yield
      }) : () -> ()
      %dma_start3A_52 = arith.constant 0 : i32
      %dma_start3A_53 = arith.constant 0 : i32
      %dma_start3A_54 = tpu.memref_slice %arg7[%dma_start3A_52, %dma_start3A_53] : memref<2x80xi32, #tpu.memory_space<vmem>> -> memref<1x80xi32, #tpu.memory_space<vmem>>
      %dma_start3A_55 = tpu.memref_squeeze %dma_start3A_54 : memref<1x80xi32, #tpu.memory_space<vmem>> -> memref<80xi32, #tpu.memory_space<vmem>>
      %dma_start3A_56 = arith.constant 0 : i32
      %dma_start3A_57 = arith.constant 0 : i32
      %dma_start3A_58 = tpu.memref_slice %arg2[%dma_start3A_56, %dma_start3A_57] : memref<10000x128xf32, #tpu.memory_space<hbm>> -> memref<10000x128xf32, #tpu.memory_space<hbm>>
      tpu.enqueue_indirect_dma source(%dma_start3A_58 : memref<10000x128xf32, #tpu.memory_space<hbm>>) target(%arg9 : memref<80x128xf32, #tpu.memory_space<vmem>>) offsets(%dma_start3A_55 : memref<80xi32, #tpu.memory_space<vmem>>) semaphore(%arg12 : memref<!tpu.dma_semaphore, #tpu.memory_space<semaphore_mem>>)
      %dma_wait3A_59 = arith.constant 0 : i32
      %dma_wait3A_60 = arith.constant 0 : i32
      %dma_wait3A_61 = tpu.memref_slice %arg2[%dma_wait3A_59, %dma_wait3A_60] : memref<10000x128xf32, #tpu.memory_space<hbm>> -> memref<80x128xf32, #tpu.memory_space<hbm>>
      %dma_wait3A_62 = arith.constant 0 : i32
      %dma_wait3A_63 = arith.constant 0 : i32
      %dma_wait3A_64 = tpu.memref_slice %arg2[%dma_wait3A_62, %dma_wait3A_63] : memref<10000x128xf32, #tpu.memory_space<hbm>> -> memref<80x128xf32, #tpu.memory_space<hbm>>
      tpu.wait_dma2 semaphore(%arg11 : memref<!tpu.dma_semaphore, #tpu.memory_space<semaphore_mem>>) src(%dma_wait3A_64 : memref<80x128xf32, #tpu.memory_space<hbm>>) dst(%arg8 : memref<80x128xf32, #tpu.memory_space<vmem>>)
      %run_scoped3A_65 = arith.constant 1 : i32
      "tpu.region"() ({
        %run_scoped3A_87 = tpu.sem_alloc : memref<!tpu.dma_semaphore, #tpu.memory_space<semaphore_mem>>
        %dma_start3A_88 = arith.constant 0 : i32
        %dma_start3A_89 = tpu.memref_slice %arg6[%run_scoped3A_65, %dma_start3A_88] : memref<2x80xi32, #tpu.memory_space<vmem>> -> memref<1x80xi32, #tpu.memory_space<vmem>>
        %dma_start3A_90 = tpu.memref_squeeze %dma_start3A_89 : memref<1x80xi32, #tpu.memory_space<vmem>> -> memref<80xi32, #tpu.memory_space<vmem>>
        %dma_start3A_91 = arith.constant 0 : i32
        %dma_start3A_92 = arith.constant 0 : i32
        %dma_start3A_93 = tpu.memref_slice %arg10[%dma_start3A_91, %dma_start3A_92] : memref<10000x128xf32, #tpu.memory_space<vmem_shared>> -> memref<10000x128xf32, #tpu.memory_space<vmem_shared>>
        tpu.enqueue_indirect_dma source(%arg8 : memref<80x128xf32, #tpu.memory_space<vmem>>) target(%dma_start3A_93 : memref<10000x128xf32, #tpu.memory_space<vmem_shared>>) offsets(%dma_start3A_90 : memref<80xi32, #tpu.memory_space<vmem>>) semaphore(%run_scoped3A_87 : memref<!tpu.dma_semaphore, #tpu.memory_space<semaphore_mem>>) {add = true}
        %dma_wait3A_94 = arith.constant 0 : i32
        %dma_wait3A_95 = tpu.memref_slice %arg6[%run_scoped3A_65, %dma_wait3A_94] : memref<2x80xi32, #tpu.memory_space<vmem>> -> memref<1x80xi32, #tpu.memory_space<vmem>>
        %dma_wait3A_96 = tpu.memref_squeeze %dma_wait3A_95 : memref<1x80xi32, #tpu.memory_space<vmem>> -> memref<80xi32, #tpu.memory_space<vmem>>
        %dma_wait3A_97 = arith.constant 0 : i32
        %dma_wait3A_98 = arith.constant 0 : i32
        %dma_wait3A_99 = tpu.memref_slice %arg10[%dma_wait3A_97, %dma_wait3A_98] : memref<10000x128xf32, #tpu.memory_space<vmem_shared>> -> memref<10000x128xf32, #tpu.memory_space<vmem_shared>>
        tpu.wait_indirect_dma semaphore(%run_scoped3A_87 : memref<!tpu.dma_semaphore, #tpu.memory_space<semaphore_mem>>) src(%arg8 : memref<80x128xf32, #tpu.memory_space<vmem>>) dst(%dma_wait3A_99 : memref<10000x128xf32, #tpu.memory_space<vmem_shared>>)
        tpu.yield
      }) : () -> ()
      %mul3A_66 = arith.constant 2 : i32
      %mul3A_67 = arith.muli %scan3A_44, %mul3A_66 : i32
      %add3A_68 = arith.constant 1 : i32
      %add3A_69 = arith.addi %mul3A_67, %add3A_68 : i32
      %add3A_70 = arith.addi %mul3A_8, %add3A_69 : i32
      %add3A_71 = arith.constant 1 : i32
      %add3A_72 = arith.addi %add3A_70, %add3A_71 : i32
      "tpu.region"() ({
        %run_scoped3A_87 = tpu.sem_alloc : memref<!tpu.dma_semaphore, #tpu.memory_space<semaphore_mem>>
        %dma_start3A_88 = arith.constant 0 : i32
        %dma_start3A_89 = arith.constant 0 : i32
        %dma_start3A_90 = tpu.memref_slice %arg3[%add3A_72, %dma_start3A_88, %dma_start3A_89] : memref<4000x2x80xi32, #tpu.memory_space<hbm>> -> memref<1x2x80xi32, #tpu.memory_space<hbm>>
        %dma_start3A_91 = tpu.memref_squeeze %dma_start3A_90 : memref<1x2x80xi32, #tpu.memory_space<hbm>> -> memref<2x80xi32, #tpu.memory_space<hbm>>
        %dma_start3A_92 = arith.constant 0 : i32
        %dma_start3A_93 = arith.constant 0 : i32
        %dma_start3A_94 = tpu.memref_slice %arg3[%add3A_72, %dma_start3A_92, %dma_start3A_93] : memref<4000x2x80xi32, #tpu.memory_space<hbm>> -> memref<1x2x80xi32, #tpu.memory_space<hbm>>
        %dma_start3A_95 = tpu.memref_squeeze %dma_start3A_94 : memref<1x2x80xi32, #tpu.memory_space<hbm>> -> memref<2x80xi32, #tpu.memory_space<hbm>>
        tpu.enqueue_dma source(%dma_start3A_95 : memref<2x80xi32, #tpu.memory_space<hbm>>) target(%arg6 : memref<2x80xi32, #tpu.memory_space<vmem>>) target_semaphore(%run_scoped3A_87 : memref<!tpu.dma_semaphore, #tpu.memory_space<semaphore_mem>>)
        %dma_wait3A_96 = arith.constant 0 : i32
        %dma_wait3A_97 = arith.constant 0 : i32
        %dma_wait3A_98 = tpu.memref_slice %arg3[%add3A_72, %dma_wait3A_96, %dma_wait3A_97] : memref<4000x2x80xi32, #tpu.memory_space<hbm>> -> memref<1x2x80xi32, #tpu.memory_space<hbm>>
        %dma_wait3A_99 = tpu.memref_squeeze %dma_wait3A_98 : memref<1x2x80xi32, #tpu.memory_space<hbm>> -> memref<2x80xi32, #tpu.memory_space<hbm>>
        %dma_wait3A_100 = arith.constant 0 : i32
        %dma_wait3A_101 = arith.constant 0 : i32
        %dma_wait3A_102 = tpu.memref_slice %arg3[%add3A_72, %dma_wait3A_100, %dma_wait3A_101] : memref<4000x2x80xi32, #tpu.memory_space<hbm>> -> memref<1x2x80xi32, #tpu.memory_space<hbm>>
        %dma_wait3A_103 = tpu.memref_squeeze %dma_wait3A_102 : memref<1x2x80xi32, #tpu.memory_space<hbm>> -> memref<2x80xi32, #tpu.memory_space<hbm>>
        tpu.wait_dma2 semaphore(%run_scoped3A_87 : memref<!tpu.dma_semaphore, #tpu.memory_space<semaphore_mem>>) src(%dma_wait3A_103 : memref<2x80xi32, #tpu.memory_space<hbm>>) dst(%arg6 : memref<2x80xi32, #tpu.memory_space<vmem>>)
        tpu.yield
      }) : () -> ()
      %dma_start3A_73 = arith.constant 0 : i32
      %dma_start3A_74 = arith.constant 0 : i32
      %dma_start3A_75 = tpu.memref_slice %arg6[%dma_start3A_73, %dma_start3A_74] : memref<2x80xi32, #tpu.memory_space<vmem>> -> memref<1x80xi32, #tpu.memory_space<vmem>>
      %dma_start3A_76 = tpu.memref_squeeze %dma_start3A_75 : memref<1x80xi32, #tpu.memory_space<vmem>> -> memref<80xi32, #tpu.memory_space<vmem>>
      %dma_start3A_77 = arith.constant 0 : i32
      %dma_start3A_78 = arith.constant 0 : i32
      %dma_start3A_79 = tpu.memref_slice %arg2[%dma_start3A_77, %dma_start3A_78] : memref<10000x128xf32, #tpu.memory_space<hbm>> -> memref<10000x128xf32, #tpu.memory_space<hbm>>
      tpu.enqueue_indirect_dma source(%dma_start3A_79 : memref<10000x128xf32, #tpu.memory_space<hbm>>) target(%arg8 : memref<80x128xf32, #tpu.memory_space<vmem>>) offsets(%dma_start3A_76 : memref<80xi32, #tpu.memory_space<vmem>>) semaphore(%arg11 : memref<!tpu.dma_semaphore, #tpu.memory_space<semaphore_mem>>)
      %dma_wait3A_80 = arith.constant 0 : i32
      %dma_wait3A_81 = arith.constant 0 : i32
      %dma_wait3A_82 = tpu.memref_slice %arg2[%dma_wait3A_80, %dma_wait3A_81] : memref<10000x128xf32, #tpu.memory_space<hbm>> -> memref<80x128xf32, #tpu.memory_space<hbm>>
      %dma_wait3A_83 = arith.constant 0 : i32
      %dma_wait3A_84 = arith.constant 0 : i32
      %dma_wait3A_85 = tpu.memref_slice %arg2[%dma_wait3A_83, %dma_wait3A_84] : memref<10000x128xf32, #tpu.memory_space<hbm>> -> memref<80x128xf32, #tpu.memory_space<hbm>>
      tpu.wait_dma2 semaphore(%arg12 : memref<!tpu.dma_semaphore, #tpu.memory_space<semaphore_mem>>) src(%dma_wait3A_85 : memref<80x128xf32, #tpu.memory_space<hbm>>) dst(%arg9 : memref<80x128xf32, #tpu.memory_space<vmem>>)
      %run_scoped3A_86 = arith.constant 1 : i32
      "tpu.region"() ({
        %run_scoped3A_87 = tpu.sem_alloc : memref<!tpu.dma_semaphore, #tpu.memory_space<semaphore_mem>>
        %dma_start3A_88 = arith.constant 0 : i32
        %dma_start3A_89 = tpu.memref_slice %arg7[%run_scoped3A_86, %dma_start3A_88] : memref<2x80xi32, #tpu.memory_space<vmem>> -> memref<1x80xi32, #tpu.memory_space<vmem>>
        %dma_start3A_90 = tpu.memref_squeeze %dma_start3A_89 : memref<1x80xi32, #tpu.memory_space<vmem>> -> memref<80xi32, #tpu.memory_space<vmem>>
        %dma_start3A_91 = arith.constant 0 : i32
        %dma_start3A_92 = arith.constant 0 : i32
        %dma_start3A_93 = tpu.memref_slice %arg10[%dma_start3A_91, %dma_start3A_92] : memref<10000x128xf32, #tpu.memory_space<vmem_shared>> -> memref<10000x128xf32, #tpu.memory_space<vmem_shared>>
        tpu.enqueue_indirect_dma source(%arg9 : memref<80x128xf32, #tpu.memory_space<vmem>>) target(%dma_start3A_93 : memref<10000x128xf32, #tpu.memory_space<vmem_shared>>) offsets(%dma_start3A_90 : memref<80xi32, #tpu.memory_space<vmem>>) semaphore(%run_scoped3A_87 : memref<!tpu.dma_semaphore, #tpu.memory_space<semaphore_mem>>) {add = true}
        %dma_wait3A_94 = arith.constant 0 : i32
        %dma_wait3A_95 = tpu.memref_slice %arg7[%run_scoped3A_86, %dma_wait3A_94] : memref<2x80xi32, #tpu.memory_space<vmem>> -> memref<1x80xi32, #tpu.memory_space<vmem>>
        %dma_wait3A_96 = tpu.memref_squeeze %dma_wait3A_95 : memref<1x80xi32, #tpu.memory_space<vmem>> -> memref<80xi32, #tpu.memory_space<vmem>>
        %dma_wait3A_97 = arith.constant 0 : i32
        %dma_wait3A_98 = arith.constant 0 : i32
        %dma_wait3A_99 = tpu.memref_slice %arg10[%dma_wait3A_97, %dma_wait3A_98] : memref<10000x128xf32, #tpu.memory_space<vmem_shared>> -> memref<10000x128xf32, #tpu.memory_space<vmem_shared>>
        tpu.wait_indirect_dma semaphore(%run_scoped3A_87 : memref<!tpu.dma_semaphore, #tpu.memory_space<semaphore_mem>>) src(%arg9 : memref<80x128xf32, #tpu.memory_space<vmem>>) dst(%dma_wait3A_99 : memref<10000x128xf32, #tpu.memory_space<vmem_shared>>)
        tpu.yield
      }) : () -> ()
    }
    %scan3A_19 = arith.constant 62 : i32
    %scan3A_20 = arith.constant 0 : i32
    %scan3A_21 = arith.constant 124 : i32
    %dma_wait3A = arith.constant 0 : i32
    %dma_wait3A_22 = arith.constant 0 : i32
    %dma_wait3A_23 = tpu.memref_slice %arg2[%dma_wait3A, %dma_wait3A_22] : memref<10000x128xf32, #tpu.memory_space<hbm>> -> memref<80x128xf32, #tpu.memory_space<hbm>>
    %dma_wait3A_24 = arith.constant 0 : i32
    %dma_wait3A_25 = arith.constant 0 : i32
    %dma_wait3A_26 = tpu.memref_slice %arg2[%dma_wait3A_24, %dma_wait3A_25] : memref<10000x128xf32, #tpu.memory_space<hbm>> -> memref<80x128xf32, #tpu.memory_space<hbm>>
    tpu.wait_dma2 semaphore(%arg11 : memref<!tpu.dma_semaphore, #tpu.memory_space<semaphore_mem>>) src(%dma_wait3A_26 : memref<80x128xf32, #tpu.memory_space<hbm>>) dst(%arg8 : memref<80x128xf32, #tpu.memory_space<vmem>>)
    %run_scoped3A = arith.constant 1 : i32
    "tpu.region"() ({
      %run_scoped3A_44 = tpu.sem_alloc : memref<!tpu.dma_semaphore, #tpu.memory_space<semaphore_mem>>
      %dma_start3A_45 = arith.constant 0 : i32
      %dma_start3A_46 = tpu.memref_slice %arg6[%run_scoped3A, %dma_start3A_45] : memref<2x80xi32, #tpu.memory_space<vmem>> -> memref<1x80xi32, #tpu.memory_space<vmem>>
      %dma_start3A_47 = tpu.memref_squeeze %dma_start3A_46 : memref<1x80xi32, #tpu.memory_space<vmem>> -> memref<80xi32, #tpu.memory_space<vmem>>
      %dma_start3A_48 = arith.constant 0 : i32
      %dma_start3A_49 = arith.constant 0 : i32
      %dma_start3A_50 = tpu.memref_slice %arg10[%dma_start3A_48, %dma_start3A_49] : memref<10000x128xf32, #tpu.memory_space<vmem_shared>> -> memref<10000x128xf32, #tpu.memory_space<vmem_shared>>
      tpu.enqueue_indirect_dma source(%arg8 : memref<80x128xf32, #tpu.memory_space<vmem>>) target(%dma_start3A_50 : memref<10000x128xf32, #tpu.memory_space<vmem_shared>>) offsets(%dma_start3A_47 : memref<80xi32, #tpu.memory_space<vmem>>) semaphore(%run_scoped3A_44 : memref<!tpu.dma_semaphore, #tpu.memory_space<semaphore_mem>>) {add = true}
      %dma_wait3A_51 = arith.constant 0 : i32
      %dma_wait3A_52 = tpu.memref_slice %arg6[%run_scoped3A, %dma_wait3A_51] : memref<2x80xi32, #tpu.memory_space<vmem>> -> memref<1x80xi32, #tpu.memory_space<vmem>>
      %dma_wait3A_53 = tpu.memref_squeeze %dma_wait3A_52 : memref<1x80xi32, #tpu.memory_space<vmem>> -> memref<80xi32, #tpu.memory_space<vmem>>
      %dma_wait3A_54 = arith.constant 0 : i32
      %dma_wait3A_55 = arith.constant 0 : i32
      %dma_wait3A_56 = tpu.memref_slice %arg10[%dma_wait3A_54, %dma_wait3A_55] : memref<10000x128xf32, #tpu.memory_space<vmem_shared>> -> memref<10000x128xf32, #tpu.memory_space<vmem_shared>>
      tpu.wait_indirect_dma semaphore(%run_scoped3A_44 : memref<!tpu.dma_semaphore, #tpu.memory_space<semaphore_mem>>) src(%arg8 : memref<80x128xf32, #tpu.memory_space<vmem>>) dst(%dma_wait3A_56 : memref<10000x128xf32, #tpu.memory_space<vmem_shared>>)
      tpu.yield
    }) : () -> ()
    %add3A_27 = arith.constant 1 : i32
    %add3A_28 = arith.addi %scan3A_21, %add3A_27 : i32
    %lt3A = arith.constant 125 : i32
    %lt3A_29 = arith.cmpi slt, %add3A_28, %lt3A : i32
    %convert_element_type3A_30 = arith.extui %lt3A_29 : i1 to i32
    %cond3A_31 = arith.constant 0 : i32
    %cond3A_32 = arith.cmpi ne, %convert_element_type3A_30, %cond3A_31 : i32
    scf.if %cond3A_32 {
      %add3A_44 = arith.addi %mul3A_8, %scan3A_21 : i32
      %add3A_45 = arith.constant 1 : i32
      %add3A_46 = arith.addi %add3A_44, %add3A_45 : i32
      "tpu.region"() ({
        %run_scoped3A_54 = tpu.sem_alloc : memref<!tpu.dma_semaphore, #tpu.memory_space<semaphore_mem>>
        %dma_start3A_55 = arith.constant 0 : i32
        %dma_start3A_56 = arith.constant 0 : i32
        %dma_start3A_57 = tpu.memref_slice %arg3[%add3A_46, %dma_start3A_55, %dma_start3A_56] : memref<4000x2x80xi32, #tpu.memory_space<hbm>> -> memref<1x2x80xi32, #tpu.memory_space<hbm>>
        %dma_start3A_58 = tpu.memref_squeeze %dma_start3A_57 : memref<1x2x80xi32, #tpu.memory_space<hbm>> -> memref<2x80xi32, #tpu.memory_space<hbm>>
        %dma_start3A_59 = arith.constant 0 : i32
        %dma_start3A_60 = arith.constant 0 : i32
        %dma_start3A_61 = tpu.memref_slice %arg3[%add3A_46, %dma_start3A_59, %dma_start3A_60] : memref<4000x2x80xi32, #tpu.memory_space<hbm>> -> memref<1x2x80xi32, #tpu.memory_space<hbm>>
        %dma_start3A_62 = tpu.memref_squeeze %dma_start3A_61 : memref<1x2x80xi32, #tpu.memory_space<hbm>> -> memref<2x80xi32, #tpu.memory_space<hbm>>
        tpu.enqueue_dma source(%dma_start3A_62 : memref<2x80xi32, #tpu.memory_space<hbm>>) target(%arg6 : memref<2x80xi32, #tpu.memory_space<vmem>>) target_semaphore(%run_scoped3A_54 : memref<!tpu.dma_semaphore, #tpu.memory_space<semaphore_mem>>)
        %dma_wait3A_63 = arith.constant 0 : i32
        %dma_wait3A_64 = arith.constant 0 : i32
        %dma_wait3A_65 = tpu.memref_slice %arg3[%add3A_46, %dma_wait3A_63, %dma_wait3A_64] : memref<4000x2x80xi32, #tpu.memory_space<hbm>> -> memref<1x2x80xi32, #tpu.memory_space<hbm>>
        %dma_wait3A_66 = tpu.memref_squeeze %dma_wait3A_65 : memref<1x2x80xi32, #tpu.memory_space<hbm>> -> memref<2x80xi32, #tpu.memory_space<hbm>>
        %dma_wait3A_67 = arith.constant 0 : i32
        %dma_wait3A_68 = arith.constant 0 : i32
        %dma_wait3A_69 = tpu.memref_slice %arg3[%add3A_46, %dma_wait3A_67, %dma_wait3A_68] : memref<4000x2x80xi32, #tpu.memory_space<hbm>> -> memref<1x2x80xi32, #tpu.memory_space<hbm>>
        %dma_wait3A_70 = tpu.memref_squeeze %dma_wait3A_69 : memref<1x2x80xi32, #tpu.memory_space<hbm>> -> memref<2x80xi32, #tpu.memory_space<hbm>>
        tpu.wait_dma2 semaphore(%run_scoped3A_54 : memref<!tpu.dma_semaphore, #tpu.memory_space<semaphore_mem>>) src(%dma_wait3A_70 : memref<2x80xi32, #tpu.memory_space<hbm>>) dst(%arg6 : memref<2x80xi32, #tpu.memory_space<vmem>>)
        tpu.yield
      }) : () -> ()
      %dma_start3A_47 = arith.constant 0 : i32
      %dma_start3A_48 = arith.constant 0 : i32
      %dma_start3A_49 = tpu.memref_slice %arg6[%dma_start3A_47, %dma_start3A_48] : memref<2x80xi32, #tpu.memory_space<vmem>> -> memref<1x80xi32, #tpu.memory_space<vmem>>
      %dma_start3A_50 = tpu.memref_squeeze %dma_start3A_49 : memref<1x80xi32, #tpu.memory_space<vmem>> -> memref<80xi32, #tpu.memory_space<vmem>>
      %dma_start3A_51 = arith.constant 0 : i32
      %dma_start3A_52 = arith.constant 0 : i32
      %dma_start3A_53 = tpu.memref_slice %arg2[%dma_start3A_51, %dma_start3A_52] : memref<10000x128xf32, #tpu.memory_space<hbm>> -> memref<10000x128xf32, #tpu.memory_space<hbm>>
      tpu.enqueue_indirect_dma source(%dma_start3A_53 : memref<10000x128xf32, #tpu.memory_space<hbm>>) target(%arg8 : memref<80x128xf32, #tpu.memory_space<vmem>>) offsets(%dma_start3A_50 : memref<80xi32, #tpu.memory_space<vmem>>) semaphore(%arg11 : memref<!tpu.dma_semaphore, #tpu.memory_space<semaphore_mem>>)
    } else {
    }
    %scan3A_33 = arith.constant 1 : i32
    %barrier3A_34 = arith.constant 0 : index
    tpu.barrier barrier_id(%barrier3A_34)
    %mul3A_35 = arith.constant 624 : i32
    %mul3A_36 = arith.muli %arg1, %mul3A_35 : i32
    %mul3A_37 = arith.constant 624 : i32
    %mul3A_38 = arith.muli %arg1, %mul3A_37 : i32
    "tpu.region"() ({
      %run_scoped3A_44 = tpu.sem_alloc : memref<!tpu.dma_semaphore, #tpu.memory_space<semaphore_mem>>
      %dma_start3A_45 = arith.constant 0 : i32
      %dma_start3A_46 = tpu.memref_slice %arg5[%arg0, %mul3A_38, %dma_start3A_45] : memref<2x10000x128xf32, #tpu.memory_space<hbm>> -> memref<1x624x128xf32, #tpu.memory_space<hbm>>
      %dma_start3A_47 = tpu.memref_squeeze %dma_start3A_46 : memref<1x624x128xf32, #tpu.memory_space<hbm>> -> memref<624x128xf32, #tpu.memory_space<hbm>>
      %dma_start3A_48 = arith.constant 0 : i32
      %dma_start3A_49 = tpu.memref_slice %arg10[%mul3A_36, %dma_start3A_48] : memref<10000x128xf32, #tpu.memory_space<vmem_shared>> -> memref<624x128xf32, #tpu.memory_space<vmem_shared>>
      tpu.enqueue_dma source(%dma_start3A_49 : memref<624x128xf32, #tpu.memory_space<vmem_shared>>) target(%dma_start3A_47 : memref<624x128xf32, #tpu.memory_space<hbm>>) target_semaphore(%run_scoped3A_44 : memref<!tpu.dma_semaphore, #tpu.memory_space<semaphore_mem>>)
      %dma_wait3A_50 = arith.constant 0 : i32
      %dma_wait3A_51 = tpu.memref_slice %arg5[%arg0, %mul3A_38, %dma_wait3A_50] : memref<2x10000x128xf32, #tpu.memory_space<hbm>> -> memref<1x624x128xf32, #tpu.memory_space<hbm>>
      %dma_wait3A_52 = tpu.memref_squeeze %dma_wait3A_51 : memref<1x624x128xf32, #tpu.memory_space<hbm>> -> memref<624x128xf32, #tpu.memory_space<hbm>>
      %dma_wait3A_53 = arith.constant 0 : i32
      %dma_wait3A_54 = tpu.memref_slice %arg10[%mul3A_36, %dma_wait3A_53] : memref<10000x128xf32, #tpu.memory_space<vmem_shared>> -> memref<624x128xf32, #tpu.memory_space<vmem_shared>>
      tpu.wait_dma2 semaphore(%run_scoped3A_44 : memref<!tpu.dma_semaphore, #tpu.memory_space<semaphore_mem>>) src(%dma_wait3A_54 : memref<624x128xf32, #tpu.memory_space<vmem_shared>>) dst(%dma_wait3A_52 : memref<624x128xf32, #tpu.memory_space<hbm>>)
      tpu.yield
    }) : () -> ()
    %eq3A_39 = arith.constant 15 : i32
    %eq3A_40 = arith.cmpi eq, %arg1, %eq3A_39 : i32
    %convert_element_type3A_41 = arith.extui %eq3A_40 : i1 to i32
    %cond3A_42 = arith.constant 0 : i32
    %cond3A_43 = arith.cmpi ne, %convert_element_type3A_41, %cond3A_42 : i32
    scf.if %cond3A_43 {
      "tpu.region"() ({
        %run_scoped3A_44 = tpu.sem_alloc : memref<!tpu.dma_semaphore, #tpu.memory_space<semaphore_mem>>
        %dma_start3A_45 = arith.constant 9984 : i32
        %dma_start3A_46 = arith.constant 0 : i32
        %dma_start3A_47 = tpu.memref_slice %arg5[%arg0, %dma_start3A_45, %dma_start3A_46] : memref<2x10000x128xf32, #tpu.memory_space<hbm>> -> memref<1x16x128xf32, #tpu.memory_space<hbm>>
        %dma_start3A_48 = tpu.memref_squeeze %dma_start3A_47 : memref<1x16x128xf32, #tpu.memory_space<hbm>> -> memref<16x128xf32, #tpu.memory_space<hbm>>
        %dma_start3A_49 = arith.constant 9984 : i32
        %dma_start3A_50 = arith.constant 0 : i32
        %dma_start3A_51 = tpu.memref_slice %arg10[%dma_start3A_49, %dma_start3A_50] : memref<10000x128xf32, #tpu.memory_space<vmem_shared>> -> memref<16x128xf32, #tpu.memory_space<vmem_shared>>
        tpu.enqueue_dma source(%dma_start3A_51 : memref<16x128xf32, #tpu.memory_space<vmem_shared>>) target(%dma_start3A_48 : memref<16x128xf32, #tpu.memory_space<hbm>>) target_semaphore(%run_scoped3A_44 : memref<!tpu.dma_semaphore, #tpu.memory_space<semaphore_mem>>)
        %dma_wait3A_52 = arith.constant 9984 : i32
        %dma_wait3A_53 = arith.constant 0 : i32
        %dma_wait3A_54 = tpu.memref_slice %arg5[%arg0, %dma_wait3A_52, %dma_wait3A_53] : memref<2x10000x128xf32, #tpu.memory_space<hbm>> -> memref<1x16x128xf32, #tpu.memory_space<hbm>>
        %dma_wait3A_55 = tpu.memref_squeeze %dma_wait3A_54 : memref<1x16x128xf32, #tpu.memory_space<hbm>> -> memref<16x128xf32, #tpu.memory_space<hbm>>
        %dma_wait3A_56 = arith.constant 9984 : i32
        %dma_wait3A_57 = arith.constant 0 : i32
        %dma_wait3A_58 = tpu.memref_slice %arg10[%dma_wait3A_56, %dma_wait3A_57] : memref<10000x128xf32, #tpu.memory_space<vmem_shared>> -> memref<16x128xf32, #tpu.memory_space<vmem_shared>>
        tpu.wait_dma2 semaphore(%run_scoped3A_44 : memref<!tpu.dma_semaphore, #tpu.memory_space<semaphore_mem>>) src(%dma_wait3A_58 : memref<16x128xf32, #tpu.memory_space<vmem_shared>>) dst(%dma_wait3A_55 : memref<16x128xf32, #tpu.memory_space<hbm>>)
        tpu.yield
      }) : () -> ()
    } else {
    }
    return
  }
}

module attributes {stable_mosaic.version = 14 : i64} {
  func.func @body(%arg0: i32, %arg1: memref<2000x128xf32, #tpu.memory_space<vmem>>, %arg2: memref<128x128xf32, #tpu.memory_space<vmem>>, %arg3: memref<2000x1xf32, #tpu.memory_space<vmem>>, %arg4: memref<2000x1xf32, #tpu.memory_space<vmem>>, %arg5: memref<2000x128xf32, #tpu.memory_space<vmem>>, %arg6: memref<2000x1xf32, #tpu.memory_space<vmem>>) attributes {dimension_semantics = [#tpu.dimension_semantics<arbitrary>], iteration_bounds = array<i64: 5>, scalar_prefetch = 0 : i64, scratch_operands = 0 : i64, tpu.core_type = #tpu.core_type<tc>, window_params = [{transform_indices = @transform_0, window_bounds = array<i64: 2000, 128>}, {pipeline_mode = #tpu.pipeline_mode<synchronous>, transform_indices = @transform_1, window_bounds = array<i64: 128, 128>}, {transform_indices = @transform_2, window_bounds = array<i64: 2000, 1>}, {transform_indices = @transform_3, window_bounds = array<i64: 2000, 1>}, {transform_indices = @transform_4, window_bounds = array<i64: 2000, 128>}, {transform_indices = @transform_5, window_bounds = array<i64: 2000, 1>}]} {
    %get3A = arith.constant 0 : index
    %get3A_0 = arith.constant 0 : index
    %get3A_1 = vector.load %arg3[%get3A, %get3A_0] : memref<2000x1xf32, #tpu.memory_space<vmem>>, vector<2000x1xf32>
    %get3A_2 = arith.constant 0 : index
    %get3A_3 = arith.constant 0 : index
    %get3A_4 = vector.load %arg4[%get3A_2, %get3A_3] : memref<2000x1xf32, #tpu.memory_space<vmem>>, vector<2000x1xf32>
    %add3A = arith.addf %get3A_1, %get3A_4 : vector<2000x1xf32>
    %add3A_5 = arith.constant 1.000000e+00 : f32
    %add3A_6 = vector.broadcast %add3A_5 : f32 to vector<2000x1xf32>
    %add3A_7 = arith.addf %add3A, %add3A_6 : vector<2000x1xf32>
    %max3A = arith.constant 9.99999996E-13 : f32
    %max3A_8 = vector.broadcast %max3A : f32 to vector<2000x1xf32>
    %max3A_9 = arith.maximumf %add3A_7, %max3A_8 : vector<2000x1xf32>
    %rsqrt3A = math.rsqrt %max3A_9 : vector<2000x1xf32>
    %get3A_10 = arith.constant 0 : index
    %get3A_11 = arith.constant 0 : index
    %get3A_12 = vector.load %arg1[%get3A_10, %get3A_11] : memref<2000x128xf32, #tpu.memory_space<vmem>>, vector<2000x128xf32>
    %get3A_13 = arith.constant 0 : index
    %get3A_14 = arith.constant 0 : index
    %get3A_15 = vector.load %arg2[%get3A_13, %get3A_14] : memref<128x128xf32, #tpu.memory_space<vmem>>, vector<128x128xf32>
    %dot_general3A = arith.constant dense<0.000000e+00> : vector<2000x128xf32>
    %dot_general3A_16 = tpu.matmul %get3A_12, %get3A_15, %dot_general3A {dimension_numbers = #tpu.dot_dimension_numbers<[1], [0], [0], [1], [0, 0, 1, 1], [], []>, transpose_lhs_hint = false} : vector<2000x128xf32>, vector<128x128xf32>, vector<2000x128xf32> -> vector<2000x128xf32>
    %mul3A = vector.broadcast %rsqrt3A : vector<2000x1xf32> to vector<2000x128xf32>
    %mul3A_17 = arith.mulf %dot_general3A_16, %mul3A : vector<2000x128xf32>
    %swap3A = arith.constant 0 : index
    %swap3A_18 = arith.constant 0 : index
    %swap3A_19 = vector.load %arg5[%swap3A, %swap3A_18] : memref<2000x128xf32, #tpu.memory_space<vmem>>, vector<2000x128xf32>
    tpu.vector_store %arg5[%swap3A, %swap3A_18], %mul3A_17 {strides = array<i32>} : memref<2000x128xf32, #tpu.memory_space<vmem>>, vector<2000x128xf32>,
    %swap3A_20 = arith.constant 0 : index
    %swap3A_21 = arith.constant 0 : index
    %swap3A_22 = vector.load %arg6[%swap3A_20, %swap3A_21] : memref<2000x1xf32, #tpu.memory_space<vmem>>, vector<2000x1xf32>
    tpu.vector_store %arg6[%swap3A_20, %swap3A_21], %rsqrt3A {strides = array<i32>} : memref<2000x1xf32, #tpu.memory_space<vmem>>, vector<2000x1xf32>,
    return
  }
  func.func @transform_0(%arg0: i32) -> (i32, i32) {
    %c0_i32 = arith.constant 0 : i32
    %c0_i32_0 = arith.constant 0 : i32
    return %arg0, %c0_i32 : i32, i32
  }
  func.func @transform_1(%arg0: i32) -> (i32, i32) {
    %c0_i32 = arith.constant 0 : i32
    %c0_i32_0 = arith.constant 0 : i32
    %c0_i32_1 = arith.constant 0 : i32
    return %c0_i32, %c0_i32_0 : i32, i32
  }
  func.func @transform_2(%arg0: i32) -> (i32, i32) {
    %c0_i32 = arith.constant 0 : i32
    %c0_i32_0 = arith.constant 0 : i32
    return %arg0, %c0_i32 : i32, i32
  }
  func.func @transform_3(%arg0: i32) -> (i32, i32) {
    %c0_i32 = arith.constant 0 : i32
    %c0_i32_0 = arith.constant 0 : i32
    return %arg0, %c0_i32 : i32, i32
  }
  func.func @transform_4(%arg0: i32) -> (i32, i32) {
    %c0_i32 = arith.constant 0 : i32
    %c0_i32_0 = arith.constant 0 : i32
    return %arg0, %c0_i32 : i32, i32
  }
  func.func @transform_5(%arg0: i32) -> (i32, i32) {
    %c0_i32 = arith.constant 0 : i32
    %c0_i32_0 = arith.constant 0 : i32
    return %arg0, %c0_i32 : i32, i32
  }
}

module attributes {stable_mosaic.version = 14 : i64} {
  func.func @body(%arg0: i32, %arg1: memref<2000x128xf32, #tpu.memory_space<vmem>>, %arg2: memref<2000x128xf32, #tpu.memory_space<vmem>>, %arg3: memref<2000x128xf32, #tpu.memory_space<vmem>>, %arg4: memref<2000x1xf32, #tpu.memory_space<vmem>>, %arg5: memref<128xf32, #tpu.memory_space<vmem>>, %arg6: memref<2000x128xf32, #tpu.memory_space<vmem>>, %arg7: memref<2x128xf32, #tpu.memory_space<vmem>>) attributes {dimension_semantics = [#tpu.dimension_semantics<arbitrary>], iteration_bounds = array<i64: 5>, scalar_prefetch = 0 : i64, scratch_operands = 0 : i64, tpu.core_type = #tpu.core_type<tc>, window_params = [{transform_indices = @transform_0, window_bounds = array<i64: 2000, 128>}, {transform_indices = @transform_1, window_bounds = array<i64: 2000, 128>}, {transform_indices = @transform_2, window_bounds = array<i64: 2000, 128>}, {transform_indices = @transform_3, window_bounds = array<i64: 2000, 1>}, {pipeline_mode = #tpu.pipeline_mode<synchronous>, transform_indices = @transform_4, window_bounds = array<i64: 128>}, {transform_indices = @transform_5, window_bounds = array<i64: 2000, 128>}, {pipeline_mode = #tpu.pipeline_mode<synchronous>, transform_indices = @transform_6, window_bounds = array<i64: 2, 128>}]} {
    %get3A = arith.constant 0 : index
    %get3A_0 = arith.constant 0 : index
    %get3A_1 = vector.load %arg4[%get3A, %get3A_0] : memref<2000x1xf32, #tpu.memory_space<vmem>>, vector<2000x1xf32>
    %get3A_2 = arith.constant 0 : index
    %get3A_3 = arith.constant 0 : index
    %get3A_4 = vector.load %arg1[%get3A_2, %get3A_3] : memref<2000x128xf32, #tpu.memory_space<vmem>>, vector<2000x128xf32>
    %get3A_5 = arith.constant 0 : index
    %get3A_6 = arith.constant 0 : index
    %get3A_7 = vector.load %arg2[%get3A_5, %get3A_6] : memref<2000x128xf32, #tpu.memory_space<vmem>>, vector<2000x128xf32>
    %add3A = arith.addf %get3A_4, %get3A_7 : vector<2000x128xf32>
    %get3A_8 = arith.constant 0 : index
    %get3A_9 = arith.constant 0 : index
    %get3A_10 = vector.load %arg3[%get3A_8, %get3A_9] : memref<2000x128xf32, #tpu.memory_space<vmem>>, vector<2000x128xf32>
    %add3A_11 = arith.addf %add3A, %get3A_10 : vector<2000x128xf32>
    %mul3A = vector.broadcast %get3A_1 : vector<2000x1xf32> to vector<2000x128xf32>
    %mul3A_12 = arith.mulf %mul3A, %add3A_11 : vector<2000x128xf32>
    %get3A_13 = arith.constant 0 : index
    %get3A_14 = vector.load %arg5[%get3A_13] : memref<128xf32, #tpu.memory_space<vmem>>, vector<128xf32>
    %broadcast_in_dim3A = vector.shape_cast %get3A_14 : vector<128xf32> to vector<1x128xf32>
    %add3A_15 = vector.broadcast %broadcast_in_dim3A : vector<1x128xf32> to vector<2000x128xf32>
    %add3A_16 = arith.addf %mul3A_12, %add3A_15 : vector<2000x128xf32>
    %swap3A = arith.constant 0 : index
    %swap3A_17 = arith.constant 0 : index
    %swap3A_18 = vector.load %arg6[%swap3A, %swap3A_17] : memref<2000x128xf32, #tpu.memory_space<vmem>>, vector<2000x128xf32>
    tpu.vector_store %arg6[%swap3A, %swap3A_17], %add3A_16 {strides = array<i32>} : memref<2000x128xf32, #tpu.memory_space<vmem>>, vector<2000x128xf32>,
    %eq3A = arith.constant 0 : i32
    %eq3A_19 = arith.cmpi eq, %arg0, %eq3A : i32
    %convert_element_type3A = arith.extui %eq3A_19 : i1 to i32
    %cond3A = arith.constant 0 : i32
    %cond3A_20 = arith.cmpi ne, %convert_element_type3A, %cond3A : i32
    scf.if %cond3A_20 {
      %broadcast_in_dim3A_41 = arith.constant 0.000000e+00 : f32
      %broadcast_in_dim3A_42 = vector.broadcast %broadcast_in_dim3A_41 : f32 to vector<2x128xf32>
      %swap3A_43 = arith.constant 0 : index
      %swap3A_44 = arith.constant 0 : index
      %swap3A_45 = vector.load %arg7[%swap3A_43, %swap3A_44] : memref<2x128xf32, #tpu.memory_space<vmem>>, vector<2x128xf32>
      tpu.vector_store %arg7[%swap3A_43, %swap3A_44], %broadcast_in_dim3A_42 {strides = array<i32>} : memref<2x128xf32, #tpu.memory_space<vmem>>, vector<2x128xf32>,
    } else {
    }
    %get3A_21 = arith.constant 0 : index
    %get3A_22 = arith.constant 0 : index
    %get3A_23 = vector.load %arg7[%get3A_21, %get3A_22] : memref<2x128xf32, #tpu.memory_space<vmem>>, vector<1x128xf32>
    %reduce_sum3A = arith.constant dense<0.000000e+00> : vector<128xf32>
    %reduce_sum3A_24 = vector.multi_reduction <add>, %add3A_16, %reduce_sum3A [0] : vector<2000x128xf32> to vector<128xf32>
    %broadcast_in_dim3A_25 = vector.shape_cast %reduce_sum3A_24 : vector<128xf32> to vector<1x128xf32>
    %add3A_26 = arith.addf %get3A_23, %broadcast_in_dim3A_25 : vector<1x128xf32>
    %swap3A_27 = arith.constant 0 : index
    %swap3A_28 = arith.constant 0 : index
    %swap3A_29 = vector.load %arg7[%swap3A_27, %swap3A_28] : memref<2x128xf32, #tpu.memory_space<vmem>>, vector<1x128xf32>
    tpu.vector_store %arg7[%swap3A_27, %swap3A_28], %add3A_26 {strides = array<i32>} : memref<2x128xf32, #tpu.memory_space<vmem>>, vector<1x128xf32>,
    %get3A_30 = arith.constant 1 : index
    %get3A_31 = arith.constant 0 : index
    %get3A_32 = vector.load %arg7[%get3A_30, %get3A_31] : memref<2x128xf32, #tpu.memory_space<vmem>>, vector<1x128xf32>
    %mul3A_33 = arith.mulf %add3A_16, %add3A_16 : vector<2000x128xf32>
    %reduce_sum3A_34 = arith.constant dense<0.000000e+00> : vector<128xf32>
    %reduce_sum3A_35 = vector.multi_reduction <add>, %mul3A_33, %reduce_sum3A_34 [0] : vector<2000x128xf32> to vector<128xf32>
    %broadcast_in_dim3A_36 = vector.shape_cast %reduce_sum3A_35 : vector<128xf32> to vector<1x128xf32>
    %add3A_37 = arith.addf %get3A_32, %broadcast_in_dim3A_36 : vector<1x128xf32>
    %swap3A_38 = arith.constant 1 : index
    %swap3A_39 = arith.constant 0 : index
    %swap3A_40 = vector.load %arg7[%swap3A_38, %swap3A_39] : memref<2x128xf32, #tpu.memory_space<vmem>>, vector<1x128xf32>
    tpu.vector_store %arg7[%swap3A_38, %swap3A_39], %add3A_37 {strides = array<i32>} : memref<2x128xf32, #tpu.memory_space<vmem>>, vector<1x128xf32>,
    return
  }
  func.func @transform_0(%arg0: i32) -> (i32, i32) {
    %c0_i32 = arith.constant 0 : i32
    %c0_i32_0 = arith.constant 0 : i32
    return %arg0, %c0_i32 : i32, i32
  }
  func.func @transform_1(%arg0: i32) -> (i32, i32) {
    %c0_i32 = arith.constant 0 : i32
    %c0_i32_0 = arith.constant 0 : i32
    return %arg0, %c0_i32 : i32, i32
  }
  func.func @transform_2(%arg0: i32) -> (i32, i32) {
    %c0_i32 = arith.constant 0 : i32
    %c0_i32_0 = arith.constant 0 : i32
    return %arg0, %c0_i32 : i32, i32
  }
  func.func @transform_3(%arg0: i32) -> (i32, i32) {
    %c0_i32 = arith.constant 0 : i32
    %c0_i32_0 = arith.constant 0 : i32
    return %arg0, %c0_i32 : i32, i32
  }
  func.func @transform_4(%arg0: i32) -> i32 {
    %c0_i32 = arith.constant 0 : i32
    %c0_i32_0 = arith.constant 0 : i32
    return %c0_i32 : i32
  }
  func.func @transform_5(%arg0: i32) -> (i32, i32) {
    %c0_i32 = arith.constant 0 : i32
    %c0_i32_0 = arith.constant 0 : i32
    return %arg0, %c0_i32 : i32, i32
  }
  func.func @transform_6(%arg0: i32) -> (i32, i32) {
    %c0_i32 = arith.constant 0 : i32
    %c0_i32_0 = arith.constant 0 : i32
    %c0_i32_1 = arith.constant 0 : i32
    return %c0_i32, %c0_i32_0 : i32, i32
  }
}

module attributes {stable_mosaic.version = 14 : i64} {
  func.func @body(%arg0: i32, %arg1: memref<2000x128xf32, #tpu.memory_space<vmem>>, %arg2: memref<2x128xf32, #tpu.memory_space<vmem>>, %arg3: memref<128xf32, #tpu.memory_space<vmem>>, %arg4: memref<128xf32, #tpu.memory_space<vmem>>, %arg5: memref<2000x1xf32, #tpu.memory_space<vmem>>, %arg6: memref<128x128xf32, #tpu.memory_space<vmem>>, %arg7: memref<2000x128xf32, #tpu.memory_space<vmem>>) attributes {dimension_semantics = [#tpu.dimension_semantics<arbitrary>], iteration_bounds = array<i64: 5>, scalar_prefetch = 0 : i64, scratch_operands = 0 : i64, tpu.core_type = #tpu.core_type<tc>, window_params = [{transform_indices = @transform_0, window_bounds = array<i64: 2000, 128>}, {pipeline_mode = #tpu.pipeline_mode<synchronous>, transform_indices = @transform_1, window_bounds = array<i64: 2, 128>}, {pipeline_mode = #tpu.pipeline_mode<synchronous>, transform_indices = @transform_2, window_bounds = array<i64: 128>}, {pipeline_mode = #tpu.pipeline_mode<synchronous>, transform_indices = @transform_3, window_bounds = array<i64: 128>}, {transform_indices = @transform_4, window_bounds = array<i64: 2000, 1>}, {pipeline_mode = #tpu.pipeline_mode<synchronous>, transform_indices = @transform_5, window_bounds = array<i64: 128, 128>}, {transform_indices = @transform_6, window_bounds = array<i64: 2000, 128>}]} {
    %get3A = arith.constant 0 : index
    %get3A_0 = arith.constant 0 : index
    %get3A_1 = vector.load %arg2[%get3A, %get3A_0] : memref<2x128xf32, #tpu.memory_space<vmem>>, vector<1x128xf32>
    %mul3A = arith.constant 9.99999974E-5 : f32
    %mul3A_2 = vector.broadcast %mul3A : f32 to vector<1x128xf32>
    %mul3A_3 = arith.mulf %get3A_1, %mul3A_2 : vector<1x128xf32>
    %get3A_4 = arith.constant 1 : index
    %get3A_5 = arith.constant 0 : index
    %get3A_6 = vector.load %arg2[%get3A_4, %get3A_5] : memref<2x128xf32, #tpu.memory_space<vmem>>, vector<1x128xf32>
    %mul3A_7 = arith.constant 9.99999974E-5 : f32
    %mul3A_8 = vector.broadcast %mul3A_7 : f32 to vector<1x128xf32>
    %mul3A_9 = arith.mulf %get3A_6, %mul3A_8 : vector<1x128xf32>
    %mul3A_10 = arith.mulf %mul3A_3, %mul3A_3 : vector<1x128xf32>
    %sub3A = arith.subf %mul3A_9, %mul3A_10 : vector<1x128xf32>
    %get3A_11 = arith.constant 0 : index
    %get3A_12 = arith.constant 0 : index
    %get3A_13 = vector.load %arg1[%get3A_11, %get3A_12] : memref<2000x128xf32, #tpu.memory_space<vmem>>, vector<2000x128xf32>
    %sub3A_14 = vector.broadcast %mul3A_3 : vector<1x128xf32> to vector<2000x128xf32>
    %sub3A_15 = arith.subf %get3A_13, %sub3A_14 : vector<2000x128xf32>
    %add3A = arith.constant 9.99999974E-6 : f32
    %add3A_16 = vector.broadcast %add3A : f32 to vector<1x128xf32>
    %add3A_17 = arith.addf %sub3A, %add3A_16 : vector<1x128xf32>
    %rsqrt3A = math.rsqrt %add3A_17 : vector<1x128xf32>
    %mul3A_18 = vector.broadcast %rsqrt3A : vector<1x128xf32> to vector<2000x128xf32>
    %mul3A_19 = arith.mulf %sub3A_15, %mul3A_18 : vector<2000x128xf32>
    %get3A_20 = arith.constant 0 : index
    %get3A_21 = vector.load %arg3[%get3A_20] : memref<128xf32, #tpu.memory_space<vmem>>, vector<128xf32>
    %broadcast_in_dim3A = vector.shape_cast %get3A_21 : vector<128xf32> to vector<1x128xf32>
    %mul3A_22 = vector.broadcast %broadcast_in_dim3A : vector<1x128xf32> to vector<2000x128xf32>
    %mul3A_23 = arith.mulf %mul3A_19, %mul3A_22 : vector<2000x128xf32>
    %get3A_24 = arith.constant 0 : index
    %get3A_25 = vector.load %arg4[%get3A_24] : memref<128xf32, #tpu.memory_space<vmem>>, vector<128xf32>
    %broadcast_in_dim3A_26 = vector.shape_cast %get3A_25 : vector<128xf32> to vector<1x128xf32>
    %add3A_27 = vector.broadcast %broadcast_in_dim3A_26 : vector<1x128xf32> to vector<2000x128xf32>
    %add3A_28 = arith.addf %mul3A_23, %add3A_27 : vector<2000x128xf32>
    %max3A = arith.constant 0.000000e+00 : f32
    %max3A_29 = vector.broadcast %max3A : f32 to vector<2000x128xf32>
    %max3A_30 = arith.maximumf %add3A_28, %max3A_29 : vector<2000x128xf32>
    %get3A_31 = arith.constant 0 : index
    %get3A_32 = arith.constant 0 : index
    %get3A_33 = vector.load %arg5[%get3A_31, %get3A_32] : memref<2000x1xf32, #tpu.memory_space<vmem>>, vector<2000x1xf32>
    %get3A_34 = arith.constant 0 : index
    %get3A_35 = arith.constant 0 : index
    %get3A_36 = vector.load %arg6[%get3A_34, %get3A_35] : memref<128x128xf32, #tpu.memory_space<vmem>>, vector<128x128xf32>
    %dot_general3A = arith.constant dense<0.000000e+00> : vector<2000x128xf32>
    %dot_general3A_37 = tpu.matmul %max3A_30, %get3A_36, %dot_general3A {dimension_numbers = #tpu.dot_dimension_numbers<[1], [0], [0], [1], [0, 0, 1, 1], [], []>, transpose_lhs_hint = false} : vector<2000x128xf32>, vector<128x128xf32>, vector<2000x128xf32> -> vector<2000x128xf32>
    %mul3A_38 = vector.broadcast %get3A_33 : vector<2000x1xf32> to vector<2000x128xf32>
    %mul3A_39 = arith.mulf %mul3A_38, %dot_general3A_37 : vector<2000x128xf32>
    %swap3A = arith.constant 0 : index
    %swap3A_40 = arith.constant 0 : index
    %swap3A_41 = vector.load %arg7[%swap3A, %swap3A_40] : memref<2000x128xf32, #tpu.memory_space<vmem>>, vector<2000x128xf32>
    tpu.vector_store %arg7[%swap3A, %swap3A_40], %mul3A_39 {strides = array<i32>} : memref<2000x128xf32, #tpu.memory_space<vmem>>, vector<2000x128xf32>,
    return
  }
  func.func @transform_0(%arg0: i32) -> (i32, i32) {
    %c0_i32 = arith.constant 0 : i32
    %c0_i32_0 = arith.constant 0 : i32
    return %arg0, %c0_i32 : i32, i32
  }
  func.func @transform_1(%arg0: i32) -> (i32, i32) {
    %c0_i32 = arith.constant 0 : i32
    %c0_i32_0 = arith.constant 0 : i32
    %c0_i32_1 = arith.constant 0 : i32
    return %c0_i32, %c0_i32_0 : i32, i32
  }
  func.func @transform_2(%arg0: i32) -> i32 {
    %c0_i32 = arith.constant 0 : i32
    %c0_i32_0 = arith.constant 0 : i32
    return %c0_i32 : i32
  }
  func.func @transform_3(%arg0: i32) -> i32 {
    %c0_i32 = arith.constant 0 : i32
    %c0_i32_0 = arith.constant 0 : i32
    return %c0_i32 : i32
  }
  func.func @transform_4(%arg0: i32) -> (i32, i32) {
    %c0_i32 = arith.constant 0 : i32
    %c0_i32_0 = arith.constant 0 : i32
    return %arg0, %c0_i32 : i32, i32
  }
  func.func @transform_5(%arg0: i32) -> (i32, i32) {
    %c0_i32 = arith.constant 0 : i32
    %c0_i32_0 = arith.constant 0 : i32
    %c0_i32_1 = arith.constant 0 : i32
    return %c0_i32, %c0_i32_0 : i32, i32
  }
  func.func @transform_6(%arg0: i32) -> (i32, i32) {
    %c0_i32 = arith.constant 0 : i32
    %c0_i32_0 = arith.constant 0 : i32
    return %arg0, %c0_i32 : i32, i32
  }
}

module attributes {stable_mosaic.version = 14 : i64} {
  func.func @body(%arg0: i32, %arg1: memref<2000x128xf32, #tpu.memory_space<vmem>>, %arg2: memref<2x128xf32, #tpu.memory_space<vmem>>, %arg3: memref<128xf32, #tpu.memory_space<vmem>>, %arg4: memref<128xf32, #tpu.memory_space<vmem>>, %arg5: memref<128x1xf32, #tpu.memory_space<vmem>>, %arg6: memref<128x1xf32, #tpu.memory_space<vmem>>, %arg7: memref<1xf32, #tpu.memory_space<vmem>>, %arg8: memref<2000x1xi32, #tpu.memory_space<vmem>>, %arg9: memref<2000x1xf32, #tpu.memory_space<vmem>>, %arg10: memref<64x1xf32, #tpu.memory_space<vmem>>, %arg11: memref<64x128xf32, #tpu.memory_space<vmem>>) attributes {dimension_semantics = [#tpu.dimension_semantics<arbitrary>], iteration_bounds = array<i64: 5>, scalar_prefetch = 0 : i64, scratch_operands = 1 : i64, tpu.core_type = #tpu.core_type<tc>, window_params = [{transform_indices = @transform_0, window_bounds = array<i64: 2000, 128>}, {pipeline_mode = #tpu.pipeline_mode<synchronous>, transform_indices = @transform_1, window_bounds = array<i64: 2, 128>}, {pipeline_mode = #tpu.pipeline_mode<synchronous>, transform_indices = @transform_2, window_bounds = array<i64: 128>}, {pipeline_mode = #tpu.pipeline_mode<synchronous>, transform_indices = @transform_3, window_bounds = array<i64: 128>}, {pipeline_mode = #tpu.pipeline_mode<synchronous>, transform_indices = @transform_4, window_bounds = array<i64: 128, 1>}, {pipeline_mode = #tpu.pipeline_mode<synchronous>, transform_indices = @transform_5, window_bounds = array<i64: 128, 1>}, {pipeline_mode = #tpu.pipeline_mode<synchronous>, transform_indices = @transform_6, window_bounds = array<i64: 1>}, {transform_indices = @transform_7, window_bounds = array<i64: 2000, 1>}, {transform_indices = @transform_8, window_bounds = array<i64: 2000, 1>}, {pipeline_mode = #tpu.pipeline_mode<synchronous>, transform_indices = @transform_9, window_bounds = array<i64: 64, 1>}]} {
    %get3A = arith.constant 0 : index
    %get3A_0 = arith.constant 0 : index
    %get3A_1 = vector.load %arg2[%get3A, %get3A_0] : memref<2x128xf32, #tpu.memory_space<vmem>>, vector<1x128xf32>
    %mul3A = arith.constant 9.99999974E-5 : f32
    %mul3A_2 = vector.broadcast %mul3A : f32 to vector<1x128xf32>
    %mul3A_3 = arith.mulf %get3A_1, %mul3A_2 : vector<1x128xf32>
    %get3A_4 = arith.constant 1 : index
    %get3A_5 = arith.constant 0 : index
    %get3A_6 = vector.load %arg2[%get3A_4, %get3A_5] : memref<2x128xf32, #tpu.memory_space<vmem>>, vector<1x128xf32>
    %mul3A_7 = arith.constant 9.99999974E-5 : f32
    %mul3A_8 = vector.broadcast %mul3A_7 : f32 to vector<1x128xf32>
    %mul3A_9 = arith.mulf %get3A_6, %mul3A_8 : vector<1x128xf32>
    %mul3A_10 = arith.mulf %mul3A_3, %mul3A_3 : vector<1x128xf32>
    %sub3A = arith.subf %mul3A_9, %mul3A_10 : vector<1x128xf32>
    %get3A_11 = arith.constant 0 : index
    %get3A_12 = arith.constant 0 : index
    %get3A_13 = vector.load %arg1[%get3A_11, %get3A_12] : memref<2000x128xf32, #tpu.memory_space<vmem>>, vector<2000x128xf32>
    %sub3A_14 = vector.broadcast %mul3A_3 : vector<1x128xf32> to vector<2000x128xf32>
    %sub3A_15 = arith.subf %get3A_13, %sub3A_14 : vector<2000x128xf32>
    %add3A = arith.constant 9.99999974E-6 : f32
    %add3A_16 = vector.broadcast %add3A : f32 to vector<1x128xf32>
    %add3A_17 = arith.addf %sub3A, %add3A_16 : vector<1x128xf32>
    %rsqrt3A = math.rsqrt %add3A_17 : vector<1x128xf32>
    %mul3A_18 = vector.broadcast %rsqrt3A : vector<1x128xf32> to vector<2000x128xf32>
    %mul3A_19 = arith.mulf %sub3A_15, %mul3A_18 : vector<2000x128xf32>
    %get3A_20 = arith.constant 0 : index
    %get3A_21 = vector.load %arg3[%get3A_20] : memref<128xf32, #tpu.memory_space<vmem>>, vector<128xf32>
    %broadcast_in_dim3A = vector.shape_cast %get3A_21 : vector<128xf32> to vector<1x128xf32>
    %mul3A_22 = vector.broadcast %broadcast_in_dim3A : vector<1x128xf32> to vector<2000x128xf32>
    %mul3A_23 = arith.mulf %mul3A_19, %mul3A_22 : vector<2000x128xf32>
    %get3A_24 = arith.constant 0 : index
    %get3A_25 = vector.load %arg4[%get3A_24] : memref<128xf32, #tpu.memory_space<vmem>>, vector<128xf32>
    %broadcast_in_dim3A_26 = vector.shape_cast %get3A_25 : vector<128xf32> to vector<1x128xf32>
    %add3A_27 = vector.broadcast %broadcast_in_dim3A_26 : vector<1x128xf32> to vector<2000x128xf32>
    %add3A_28 = arith.addf %mul3A_23, %add3A_27 : vector<2000x128xf32>
    %max3A = arith.constant 0.000000e+00 : f32
    %max3A_29 = vector.broadcast %max3A : f32 to vector<2000x128xf32>
    %max3A_30 = arith.maximumf %add3A_28, %max3A_29 : vector<2000x128xf32>
    %get3A_31 = arith.constant 0 : index
    %get3A_32 = arith.constant 0 : index
    %get3A_33 = vector.load %arg5[%get3A_31, %get3A_32] : memref<128x1xf32, #tpu.memory_space<vmem>>, vector<128x1xf32>
    %dot_general3A = arith.constant dense<0.000000e+00> : vector<2000x1xf32>
    %dot_general3A_34 = tpu.matmul %max3A_30, %get3A_33, %dot_general3A {dimension_numbers = #tpu.dot_dimension_numbers<[1], [0], [0], [1], [0, 0, 1, 1], [], []>, transpose_lhs_hint = false} : vector<2000x128xf32>, vector<128x1xf32>, vector<2000x1xf32> -> vector<2000x1xf32>
    %logistic3A = arith.negf %dot_general3A_34 : vector<2000x1xf32>
    %logistic3A_35 = math.exp %logistic3A : vector<2000x1xf32>
    %logistic3A_36 = arith.constant 1.000000e+00 : f32
    %logistic3A_37 = vector.broadcast %logistic3A_36 : f32 to vector<2000x1xf32>
    %logistic3A_38 = arith.addf %logistic3A_37, %logistic3A_35 : vector<2000x1xf32>
    %logistic3A_39 = arith.divf %logistic3A_37, %logistic3A_38 : vector<2000x1xf32>
    %swap3A = arith.constant 0 : index
    %swap3A_40 = arith.constant 0 : index
    %swap3A_41 = vector.load %arg9[%swap3A, %swap3A_40] : memref<2000x1xf32, #tpu.memory_space<vmem>>, vector<2000x1xf32>
    tpu.vector_store %arg9[%swap3A, %swap3A_40], %logistic3A_39 {strides = array<i32>} : memref<2000x1xf32, #tpu.memory_space<vmem>>, vector<2000x1xf32>,
    %mul3A_42 = vector.broadcast %logistic3A_39 : vector<2000x1xf32> to vector<2000x128xf32>
    %mul3A_43 = arith.mulf %max3A_30, %mul3A_42 : vector<2000x128xf32>
    %iota3A = tpu.iota {dimensions = array<i32: 1>} : vector<2000x64xi32>
    %get3A_44 = arith.constant 0 : index
    %get3A_45 = arith.constant 0 : index
    %get3A_46 = vector.load %arg8[%get3A_44, %get3A_45] : memref<2000x1xi32, #tpu.memory_space<vmem>>, vector<2000x1xi32>
    %eq3A = vector.broadcast %get3A_46 : vector<2000x1xi32> to vector<2000x64xi32>
    %eq3A_47 = arith.cmpi eq, %iota3A, %eq3A : vector<2000x64xi32>
    %convert_element_type3A = arith.extui %eq3A_47 : vector<2000x64xi1> to vector<2000x64xi32>
    %convert_element_type3A_48 = arith.sitofp %convert_element_type3A : vector<2000x64xi32> to vector<2000x64xf32>
    %dot_general3A_49 = arith.constant dense<0.000000e+00> : vector<64x128xf32>
    %dot_general3A_50 = tpu.matmul %convert_element_type3A_48, %mul3A_43, %dot_general3A_49 {dimension_numbers = #tpu.dot_dimension_numbers<[0], [0], [1], [1], [0, 1, 1, 1], [], []>, precision = #tpu.contract_precision<fp32>, transpose_lhs_hint = false} : vector<2000x64xf32>, vector<2000x128xf32>, vector<64x128xf32> -> vector<64x128xf32>
    %eq3A_51 = arith.constant 0 : i32
    %eq3A_52 = arith.cmpi eq, %arg0, %eq3A_51 : i32
    %convert_element_type3A_53 = arith.extui %eq3A_52 : i1 to i32
    %cond3A = arith.constant 0 : i32
    %cond3A_54 = arith.cmpi ne, %convert_element_type3A_53, %cond3A : i32
    scf.if %cond3A_54 {
      %broadcast_in_dim3A_67 = arith.constant 0.000000e+00 : f32
      %broadcast_in_dim3A_68 = vector.broadcast %broadcast_in_dim3A_67 : f32 to vector<64x128xf32>
      %swap3A_69 = arith.constant 0 : index
      %swap3A_70 = arith.constant 0 : index
      %swap3A_71 = vector.load %arg11[%swap3A_69, %swap3A_70] : memref<64x128xf32, #tpu.memory_space<vmem>>, vector<64x128xf32>
      tpu.vector_store %arg11[%swap3A_69, %swap3A_70], %broadcast_in_dim3A_68 {strides = array<i32>} : memref<64x128xf32, #tpu.memory_space<vmem>>, vector<64x128xf32>,
    } else {
    }
    %get3A_55 = arith.constant 0 : index
    %get3A_56 = arith.constant 0 : index
    %get3A_57 = vector.load %arg11[%get3A_55, %get3A_56] : memref<64x128xf32, #tpu.memory_space<vmem>>, vector<64x128xf32>
    %add3A_58 = arith.addf %get3A_57, %dot_general3A_50 : vector<64x128xf32>
    %swap3A_59 = arith.constant 0 : index
    %swap3A_60 = arith.constant 0 : index
    %swap3A_61 = vector.load %arg11[%swap3A_59, %swap3A_60] : memref<64x128xf32, #tpu.memory_space<vmem>>, vector<64x128xf32>
    tpu.vector_store %arg11[%swap3A_59, %swap3A_60], %add3A_58 {strides = array<i32>} : memref<64x128xf32, #tpu.memory_space<vmem>>, vector<64x128xf32>,
    %eq3A_62 = arith.constant 4 : i32
    %eq3A_63 = arith.cmpi eq, %arg0, %eq3A_62 : i32
    %convert_element_type3A_64 = arith.extui %eq3A_63 : i1 to i32
    %cond3A_65 = arith.constant 0 : i32
    %cond3A_66 = arith.cmpi ne, %convert_element_type3A_64, %cond3A_65 : i32
    scf.if %cond3A_66 {
      %get3A_67 = arith.constant 0 : index
      %get3A_68 = arith.constant 0 : index
      %get3A_69 = vector.load %arg11[%get3A_67, %get3A_68] : memref<64x128xf32, #tpu.memory_space<vmem>>, vector<64x128xf32>
      %get3A_70 = arith.constant 0 : index
      %get3A_71 = arith.constant 0 : index
      %get3A_72 = vector.load %arg6[%get3A_70, %get3A_71] : memref<128x1xf32, #tpu.memory_space<vmem>>, vector<128x1xf32>
      %dot_general3A_73 = arith.constant dense<0.000000e+00> : vector<64x1xf32>
      %dot_general3A_74 = tpu.matmul %get3A_69, %get3A_72, %dot_general3A_73 {dimension_numbers = #tpu.dot_dimension_numbers<[1], [0], [0], [1], [0, 0, 1, 1], [], []>, transpose_lhs_hint = false} : vector<64x128xf32>, vector<128x1xf32>, vector<64x1xf32> -> vector<64x1xf32>
      %get3A_75 = arith.constant 0 : index
      %get3A_76 = vector.load %arg7[%get3A_75] : memref<1xf32, #tpu.memory_space<vmem>>, vector<1xf32>
      %broadcast_in_dim3A_77 = vector.shape_cast %get3A_76 : vector<1xf32> to vector<1x1xf32>
      %add3A_78 = vector.broadcast %broadcast_in_dim3A_77 : vector<1x1xf32> to vector<64x1xf32>
      %add3A_79 = arith.addf %dot_general3A_74, %add3A_78 : vector<64x1xf32>
      %swap3A_80 = arith.constant 0 : index
      %swap3A_81 = arith.constant 0 : index
      %swap3A_82 = vector.load %arg10[%swap3A_80, %swap3A_81] : memref<64x1xf32, #tpu.memory_space<vmem>>, vector<64x1xf32>
      tpu.vector_store %arg10[%swap3A_80, %swap3A_81], %add3A_79 {strides = array<i32>} : memref<64x1xf32, #tpu.memory_space<vmem>>, vector<64x1xf32>,
    } else {
    }
    return
  }
  func.func @transform_0(%arg0: i32) -> (i32, i32) {
    %c0_i32 = arith.constant 0 : i32
    %c0_i32_0 = arith.constant 0 : i32
    return %arg0, %c0_i32 : i32, i32
  }
  func.func @transform_1(%arg0: i32) -> (i32, i32) {
    %c0_i32 = arith.constant 0 : i32
    %c0_i32_0 = arith.constant 0 : i32
    %c0_i32_1 = arith.constant 0 : i32
    return %c0_i32, %c0_i32_0 : i32, i32
  }
  func.func @transform_2(%arg0: i32) -> i32 {
    %c0_i32 = arith.constant 0 : i32
    %c0_i32_0 = arith.constant 0 : i32
    return %c0_i32 : i32
  }
  func.func @transform_3(%arg0: i32) -> i32 {
    %c0_i32 = arith.constant 0 : i32
    %c0_i32_0 = arith.constant 0 : i32
    return %c0_i32 : i32
  }
  func.func @transform_4(%arg0: i32) -> (i32, i32) {
    %c0_i32 = arith.constant 0 : i32
    %c0_i32_0 = arith.constant 0 : i32
    %c0_i32_1 = arith.constant 0 : i32
    return %c0_i32, %c0_i32_0 : i32, i32
  }
  func.func @transform_5(%arg0: i32) -> (i32, i32) {
    %c0_i32 = arith.constant 0 : i32
    %c0_i32_0 = arith.constant 0 : i32
    %c0_i32_1 = arith.constant 0 : i32
    return %c0_i32, %c0_i32_0 : i32, i32
  }
  func.func @transform_6(%arg0: i32) -> i32 {
    %c0_i32 = arith.constant 0 : i32
    %c0_i32_0 = arith.constant 0 : i32
    return %c0_i32 : i32
  }
  func.func @transform_7(%arg0: i32) -> (i32, i32) {
    %c0_i32 = arith.constant 0 : i32
    %c0_i32_0 = arith.constant 0 : i32
    return %arg0, %c0_i32 : i32, i32
  }
  func.func @transform_8(%arg0: i32) -> (i32, i32) {
    %c0_i32 = arith.constant 0 : i32
    %c0_i32_0 = arith.constant 0 : i32
    return %arg0, %c0_i32 : i32, i32
  }
  func.func @transform_9(%arg0: i32) -> (i32, i32) {
    %c0_i32 = arith.constant 0 : i32
    %c0_i32_0 = arith.constant 0 : i32
    %c0_i32_1 = arith.constant 0 : i32
    return %c0_i32, %c0_i32_0 : i32, i32
  }
}

</mosaic_0001>

<sc_bundles>
// kernel: kernel.10.cloned.1.call-start
scs
__scs_entry_jumppad:
0x0: {  	(pc) =	sbr.rel $0x88, $3  }
0x1: {  	(tag) =	ssettag $0x0;
	lr =	simm.s32 $0x1  }
0x2: {  	[smem:$0x3F93] =	sst lr;
	_ =	strace $0xD0000000  }
0x3: {  	_ = 	snop  }
0x4: {  	_ = 	snop  }
0x5: {  	_ = 	snop  }
0x6: {  	_ = 	snop  }
0x7: {  	_ = 	snop  }
__scs_overlays_trampoline_lowered:
0x8: {  	[smem:$0x3FA2] =	sst s0  }
0x9: {  	[smem:$0x3FA3] =	sst s1  }
0xa: {  	[smem:$0x3FA4] =	sst s2  }
0xb: {  	[smem:$0x3FA5] =	sst s3  }
0xc: {  	[smem:$0x3FA6] =	sst s4  }
0xd: {  	[smem:$0x3FA7] =	sst s5  }
0xe: {  	[smem:$0x3FA8] =	sst s6  }
0xf: {  	[smem:$0x3FA9] =	sst s7  }
0x10: {  	[smem:$0x3FAA] =	sst s8  }
0x11: {  	[smem:$0x3FAB] =	sst s9;
	s0 =	simm.s32 @!p0 $0x0  }
0x12: {  	s1 =	sld [smem:$0x3F91];
	s0 =	simm.s32 @p0 $0x1  }
0x13: {  	[smem:$0x3FAC] =	sst s0;
	s0 =	simm.s32 @!p1 $0x0  }
0x14: {  	s2 =	sld [smem:$0x3F90];
	s0 =	simm.s32 @p1 $0x1  }
0x15: {  	[smem:$0x3FAD] =	sst s0;
	s0 =	simm.s32 @!p2 $0x0  }
0x16: {  	s3 =	sld [smem:$0x3FDB];
	s0 =	simm.s32 @p2 $0x1  }
0x17: {  	s4 =	simm.s32 $0x1BF5;
	[smem:$0x3FAF] =	sst s0  }
0x18: {  	s0 =	sld [smem:$0x3F92];
	_ =	swait.ge [sflag:s4], $0x0  }
0x19: {  	s7 =	sld [smem:$0x3F93]  }
0x1a: {  	s8 =	sadd.s32 $0xFFFFE003, lr  }
0x1b: {  	s9 =	sadd.s32 $0xFFFFFEF7, lr;
	s5 =	simm.s32 $0xFFFFFFFF;
	p2 =	slt.u32 s8, $0xFFFFF086  }
0x1c: {  	p1 =	slt.u32 s9, $0xF7A;
	s5 =	simm.s32 @!p2 $0x0  }
0x1d: {  	s5 =	simm.s32 @p1 $0x1;
	p0 =	seq.s32 s7, s2  }
0x1e: {  	s7 =	smul.u32 @!p0 $0xF7A, s2;
	p2 =	seq.s32 @!p0 s5, $0x0  }
0x1f: {  	s9 =	smul.u32 $0xF7A, s1;
	s8 =	simm.s32 @!p0 $0x1BF5;
	p2 =	por !p2, p0  }
0x20: {  	[sflag:s8] =	ssyncset.s32 @!p0 $0xFFFFF086;
	s6 =	sadd.s32 @!p0 s3, s7;
	s7 =	simm.s32 @!p0 $0x108  }
0x21: {  	s3 =	sadd.s32 s3, s9;
	s6 =	sadd.s32 @!p0 $0x88, s6;
	s7 =	simm.s32 @p2 $0x1082  }
0x22: {  	[simem:s7], [sflag:s8] =	dma.local @!p0 [hbm:s6], $0xF7A  }
0x23: {  	s9 =	sor.u32 $0xD0000000, s2;
	s6 =	simm.s32 $0x108;
	_ =	swait.ge @!p0 [sflag:s8], $0x0  }
0x24: {  	s3 =	sadd.s32 $0x88, s3;
	s6 =	simm.s32 @!p1 $0x1082;
	[sflag:s4] =	ssyncset.s32 $0xFFFFF086  }
0x25: {  	[simem:s6], [sflag:s4] =	dma.local [hbm:s3], $0xF7A  }
0x26: {  	[smem:$0x3F93] =	sst s1;
	(tag) =	ssettag s2;
	_ =	strace s9  }
0x27: {  	s1 =	sld [smem:$0x3FA3]  }
0x28: {  	s2 =	sld [smem:$0x3FA4]  }
0x29: {  	s4 =	sld [smem:$0x3FA6]  }
0x2a: {  	p0 =	seq.s32 s5, $0x0;
	s5 =	sld [smem:$0x3FA7]  }
0x2b: {  	s6 =	sld [smem:$0x3FA8]  }
0x2c: {  	s7 =	sld [smem:$0x3FA9]  }
0x2d: {  	s3 =	simm.s32 $0x108;
	s8 =	sld [smem:$0x3FAA]  }
0x2e: {  	s3 =	simm.s32 @!p0 $0x1082;
	s9 =	sld [smem:$0x3FAB]  }
0x2f: {  	lr =	sadd.s32 s0, s3;
	s0 =	sld [smem:$0x3FA2]  }
0x30: {  	s3 =	sld [smem:$0x3FA5]  }
0x31: {  	[smem:$0x3FAE] =	sst s10  }
0x32: {  	s10 =	sld [smem:$0x3FAC];
	_ =	sdelay $0x3  }
0x33: {  	p0 =	seq.s32 s10, $0x1;
	s10 =	sld [smem:$0x3FAE];
	_ =	sdelay $0x3  }
0x34: {  	[smem:$0x3FAE] =	sst s10  }
0x35: {  	s10 =	sld [smem:$0x3FAD];
	_ =	sdelay $0x3  }
0x36: {  	p1 =	seq.s32 s10, $0x1;
	s10 =	sld [smem:$0x3FAE];
	_ =	sdelay $0x3  }
0x37: {  	[smem:$0x3FAE] =	sst s10  }
0x38: {  	s10 =	sld [smem:$0x3FAF]  }
0x39: {  	_ = 	snop;
	(pc) =	sbr.ind lr, $3  }
0x3a: {  	_ = 	snop  }
0x3b: {  	_ = 	snop  }
0x3c: {  	p2 =	seq.s32 s10, $0x1;
	s10 =	sld [smem:$0x3FAE]  }
0x3d: {  	_ =	shalt  }
0x3e: {  	_ =	shalt  }
0x3f: {  	_ =	shalt  }
0x40: {  	_ =	shalt  }
0x41: {  	_ =	shalt  }
0x42: {  	_ =	shalt  }
0x43: {  	_ =	shalt  }
0x44: {  	_ =	shalt  }
0x45: {  	_ =	shalt  }
0x46: {  	_ =	shalt  }
0x47: {  	_ =	shalt  }
0x48: {  	_ =	shalt  }
0x49: {  	_ =	shalt  }
0x4a: {  	_ =	shalt  }
0x4b: {  	_ =	shalt  }
0x4c: {  	_ =	shalt  }
0x4d: {  	_ =	shalt  }
0x4e: {  	_ =	shalt  }
0x4f: {  	_ =	shalt  }
0x50: {  	_ =	shalt  }
0x51: {  	_ =	shalt  }
0x52: {  	_ =	shalt  }
0x53: {  	_ =	shalt  }
0x54: {  	_ =	shalt  }
0x55: {  	_ =	shalt  }
0x56: {  	_ =	shalt  }
0x57: {  	_ =	shalt  }
0x58: {  	_ =	shalt  }
0x59: {  	_ =	shalt  }
0x5a: {  	_ =	shalt  }
0x5b: {  	_ =	shalt  }
0x5c: {  	_ =	shalt  }
0x5d: {  	_ =	shalt  }
0x5e: {  	_ =	shalt  }
0x5f: {  	_ =	shalt  }
0x60: {  	_ =	shalt  }
0x61: {  	_ =	shalt  }
0x62: {  	_ =	shalt  }
0x63: {  	_ =	shalt  }
0x64: {  	_ =	shalt  }
0x65: {  	_ =	shalt  }
0x66: {  	_ =	shalt  }
0x67: {  	_ =	shalt  }
0x68: {  	_ =	shalt  }
0x69: {  	_ =	shalt  }
0x6a: {  	_ =	shalt  }
0x6b: {  	_ =	shalt  }
0x6c: {  	_ =	shalt  }
0x6d: {  	_ =	shalt  }
0x6e: {  	_ =	shalt  }
0x6f: {  	_ =	shalt  }
0x70: {  	_ =	shalt  }
0x71: {  	_ =	shalt  }
0x72: {  	_ =	shalt  }
0x73: {  	_ =	shalt  }
0x74: {  	_ =	shalt  }
0x75: {  	_ =	shalt  }
0x76: {  	_ =	shalt  }
0x77: {  	_ =	shalt  }
0x78: {  	_ =	shalt  }
0x79: {  	_ =	shalt  }
0x7a: {  	_ =	shalt  }
0x7b: {  	_ =	shalt  }
0x7c: {  	_ =	shalt  }
0x7d: {  	_ =	shalt  }
0x7e: {  	_ =	shalt  }
0x7f: {  	_ =	shalt  }
0x80: {  	_ =	shalt  }
0x81: {  	_ =	shalt  }
0x82: {  	_ =	shalt  }
0x83: {  	_ =	shalt  }
0x84: {  	_ =	shalt  }
0x85: {  	_ =	shalt  }
0x86: {  	_ =	shalt  }
0x87: {  	_ =	shalt  }
.Lfunc_end0:
.L_simem_size_0:
called_computation_lowered:
.L_overlay_start_0:
0x88: {  	s2 =	sld [smem:$0x3FD9]  }
0x89: {  	s3 =	sld [smem:$0x3FFE];
	_ =	sdelay $0x1  }
0x8a: {  	s1 =	srdreg.scid  }
0x8b: {  	s0 =	sand.u32 $0x1, s1  }
0x8c: {  	s16 =	sshll.u32 s0, $0xA;
	s2 =	sadd.s32 s3, s2  }
0x8d: {  	s2 =	sadd.s32 s2, s16  }
0x8e: {  	[smem:$0x3FBA] =	sst s2  }
0x8f: {  	_ = 	snop  }
0x90: {  	(tm) =	ssettm $0x1  }
0x91: {  	s17 =	sld [smem:$0x3FFB];
	_ =	sdelay $0x3  }
0x92: {  	_ =	strace s17  }
0x93: {  	s2 =	sld [smem:$0x3FFC];
	_ =	sdelay $0x3  }
0x94: {  	_ =	strace s2  }
0x95: {  	s2 =	sld [smem:$0x3FFD];
	_ =	sdelay $0x3  }
0x96: {  	_ =	strace s2  }
0x97: {  	_ =	strace $0x8FFFFFFF  }
0x98: {  	s18 =	sld [smem:$0x3FDB];
	_ =	sdelay $0x1  }
0x99: {  	s19 =	simm.s32 $_scs_section_size  }
0x9a: {  	s4 =	simm.s32 $_size__tile_overlayer_lowered;
	s5 =	simm.s32 $_tile_overlayer_lowered  }
0x9b: {  	s22 =	simm.s32 $0x1BFF;
	s21 =	sshll.u32 s5, $0x1;
	s2 =	sadd.s32 s19, s18  }
0x9c: {  	s6 =	simm.s32 $0x0;
	s20 =	sshll.u32 s4, $0x1;
	s4 =	sadd.s32 s21, s2  }
0x9d: {  	[timem:s6], [sflag:s22] =	dma.local [hbm:s4], s20  }
0x9e: {  	_ =	swait.ge [sflag:s22], s20  }
0x9f: {  	s3 =	ssub.s32 $0x0, s20;
	[sflag:s22] =	ssyncset.done $0x0  }
0xa0: {  	[sflag:s22] =	ssyncadd.s32 s3;
	_ =	sdelay $0x1  }
0xa1: {  	s23 =	simm.s32 $0x1B8B  }
0xa2: {  	_ =	swait.ge [sflag:s23], $0x1  }
0xa3: {  	[sflag:s23] =	ssyncset.done $0x0  }
0xa4: {  	s25 =	simm.s32 $0x1B8E;
	s24 =	sld [smem:$0x3FFE];
	[sflag:s23] =	ssyncadd.s32 $0xFFFFFFFF  }
0xa5: {  	s26 =	simm.s32 $execute0_lowered;
	[smem:$0x3FD2] =	sst s25  }
0xa6: {  	s4 =	sshll.u32 s26, $0x1;
	_ =	strace $0x80000046;
	[dreg:$0x1] =	wrdreg $0xFFFFFFFF  }
0xa7: {  	s28 =	simm.s32 $_size_execute0_lowered;
	s2 =	sadd.s32 s2, s4;
	[dreg:$0x0] =	wrdreg $0x0  }
0xa8: {  	s4 =	sshll.u32 s28, $0x1;
	[dreg:$0x2] =	wrdreg s2  }
0xa9: {  	[dreg:$0x3] =	wrdreg s4  }
0xaa: {  	[dreg:$0x4] =	wrdreg $0xC0  }
0xab: {  	_ =	task [dreg:s6], $0x5FFFF  }
0xac: {  	[dreg:$0x1] =	wrdreg $0xFFFFFFFF  }
0xad: {  	[dreg:$0x0] =	wrdreg $0x60  }
0xae: {  	[dreg:$0x2] =	wrdreg s24  }
0xaf: {  	[dreg:$0x3] =	wrdreg $0x4000  }
0xb0: {  	[dreg:$0x4] =	wrdreg $0x9  }
0xb1: {  	_ =	task.clear_ibuf [dreg:s6], $0x5FFFF;
	_ =	strace $0x90000046  }
0xb2: {  	s29 =	simm.s32 $0x9;
	_ =	strace $0x80000048  }
0xb3: {  	_ =	swait.ge [sflag:s29], $0x1  }
0xb4: {  	[sflag:s29] =	ssyncadd.s32 $0xFFFFFFFF  }
0xb5: {  	_ =	strace $0x90000048  }
0xb6: {  	_ =	sfence  }
0xb7: {  	s30 =	sld [smem:$0x0];
	_ =	sdelay $0x2  }
0xb8: {  	s31 =	sshll.u32 s1, $0xD;
	s1 =	sshrl.u32 s1, $0x2  }
0xb9: {  	s3 =	sand.u32 $0x4000, s31;
	s1 =	sadd.s32 s1, s30  }
0xba: {  	s0 =	sor.u32 s3, s0;
	s1 =	sshll.u32 s1, $0x11  }
0xbb: {  	s0 =	sor.u32 s1, s0  }
0xbc: {  	s0 =	sadd.s32 $0x8F2B, s0  }
0xbd: {  	[sflag:s0] =	ssyncadd.remote.s32 $0x1  }
0xbe: {  	_ =	sfence.sel $0xFFFF  }
0xbf: {  	[dreg:$0x0] =	wrdreg $0xFFFFFFFF;
	(pc) =	sbr.abs _section_cstart, $3  }
0xc0: {  	[dreg:$0x1] =	wrdreg $0xFFFFFFFF  }
0xc1: {  	_ =	task.clear_ibuf [dreg:s6], $0x2FFFF;
	_ =	strace $0x9FFFFFFF  }
0xc2: {  	(tm) =	ssettm $0x7FFFFFFF  }
0xc3: {  	_ =	shalt  }
tec
execute0_lowered:
.L_overlay_start_1:
0x0: {  	(tag) =	ssettag $0x1  }
0x1: {  	s4 =	rddreg [dreg:$0x0]  }
0x2: {  	s1 =	srdreg.scid;
	s0 =	stileid.u32  }
0x3: {  	s2 =	rddreg [dreg:$0x1];
	s3 =	simm.s32 $0x0;
	s15 =	simm.s32 $0x80  }
0x4: {  	s16 =	simm.s32 $0x100;
	s17 =	simm.s32 $0x2;
	s18 =	simm.s32 $0x3  }
0x5: {  	s19 =	simm.s32 $0x4;
	s20 =	simm.s32 $0x0;
	s6 =	smul.u32 $0x280, s0  }
0x6: {  	s5 =	sand.u32 $0x1, s1;
	s1 =	rddreg [dreg:$0x2];
	s26 =	smul.u32 $0x2800, s0  }
0x7: {  	[smem:$0x7FF] =	sst s3;
	s11 =	sadd.s32 $0x4E00, s4;
	s7 =	smul.u32 $0x2800, s5  }
0x8: {  	s8 =	sshll.u32 s5, $0x4;
	_ =	strace $0x80000047;
	s9 =	ssub.s32 $0x2, s5  }
0x9: {  	s12 =	smul.u32 $0x28000, s5;
	s8 =	sor.u32 s0, s8;
	s25 =	sshrl.u32 s9, $0x1  }
0xa: {  	s7 =	sadd.s32 s6, s7;
	s8 =	smul.u32 $0x2800, s8;
	s9 =	ssub.s32 s9, s25  }
0xb: {  	s29 =	sadd.s32 s26, s12;
	s12 =	simm.s32 $0x180;
	s7 =	sshrl.u32 s7, $0x3  }
0xc: {  	s7 =	sadd.s32 s7, s4;
	s10 =	sshrl.u32 s8, $0x3;
	s4 =	sadd.s32 s6, s2  }
0xd: {  	s13 =	sor.u32 $0x80, s8;
	s14 =	sor.u32 $0x100, s8;
	s5 =	sadd.s32 s11, s10  }
.Ltmp0:
0xe: {  	s6 =	sadd.s32 $0xEE00, s7;
	s7 =	smax.u32 s9, $0x1;
	(pc) =	sbr.rel .LBB2_1-.Ltmp0, $4  }
0xf: {  	s28 =	sshrl.u32 s13, $0x3;
	s10 =	sor.u32 $0x200, s29;
	s9 =	sor.u32 $0x180, s29  }
0x10: {  	s30 =	sshrl.u32 s14, $0x3;
	s13 =	simm.s32 $0x5;
	s14 =	simm.s32 $0x1  }
0x11: {  	s8 =	sadd.s32 s11, s28;
	s10 =	sshrl.u32 s10, $0x3;
	s31 =	sshrl.u32 s9, $0x3  }
0x12: {  	v0 =	vimm.f32 $1.000000000e+00;
	v1 =	vimm.f32 $0.0e+00;
	s9 =	sadd.s32 s11, s30;
	s10 =	sadd.s32 s10, s11;
	s11 =	sadd.s32 s31, s11  }
.LBB2_4:
0x13: {  	_ =	swait.ge [sflag:s19], $0x80  }
0x14: {  	[sflag:s19] =	ssyncset.done $0x0  }
0x15: {  	[sflag:s19] =	ssyncadd.s32 $0xFFFFFF80  }
0x16: {  	[bflag:$0x0] =	sbarrier.arrive $0xFFFF  }
0x17: {  	[tilespmem:s12], [sflag:$0x5] =	stream.linear.gather [spmem:s4], $0x280, $0x38;
	[tilespmem:$0x680] =	vst v63  }
0x18: {  	s20 =	sadd.s32 $0x1, s20;
	_ =	swait.ge [sflag:s13], $0x280  }
0x19: {  	p0 =	sne.s32 s20, s7;
	[sflag:s13] =	ssyncset.done $0x0  }
.Ltmp1:
0x1a: {  	[sflag:s13] =	ssyncadd.s32 $0xFFFFFD80;
	(pc) =	sbr.rel @!p0 .LBB2_5-.Ltmp1, $4  }
0x1b: {  	[hbm4b:s6+s3] =	stream.linear.scatter [tilespmem:s12], [sflag:$0x5], $0x280, $0x38;
	[tilespmem:$0x680] =	vst v63  }
0x1c: {  	_ =	swait.ge [sflag:s13], $0x280  }
0x1d: {  	[sflag:s13] =	ssyncset.done $0x0  }
0x1e: {  	[sflag:s13] =	ssyncadd.s32 $0xFFFFFD80  }
.LBB2_1:
0x1f: {  	[tilespmem:$0x100] =	vst v0  }
0x20: {  	[tilespmem:$0x110] =	vst v0  }
0x21: {  	[tilespmem:$0x120] =	vst v0  }
0x22: {  	[tilespmem:$0x130] =	vst v0  }
0x23: {  	[tilespmem:$0x140] =	vst v0  }
0x24: {  	[tilespmem:$0x150] =	vst v0  }
0x25: {  	[tilespmem:$0x160] =	vst v0  }
0x26: {  	[tilespmem:$0x170] =	vst v0  }
0x27: {  	[tilespmem:$0x180] =	vst v1  }
0x28: {  	[tilespmem:$0x190] =	vst v1  }
0x29: {  	[tilespmem:$0x1A0] =	vst v1  }
0x2a: {  	[tilespmem:$0x1B0] =	vst v1  }
0x2b: {  	[tilespmem:$0x1C0] =	vst v1  }
0x2c: {  	[tilespmem:$0x1D0] =	vst v1  }
0x2d: {  	[tilespmem:$0x1E0] =	vst v1  }
0x2e: {  	[tilespmem:$0x1F0] =	vst v1  }
0x2f: {  	[tilespmem:$0x200] =	vst v1  }
0x30: {  	[tilespmem:$0x210] =	vst v1  }
0x31: {  	[tilespmem:$0x220] =	vst v1  }
0x32: {  	[tilespmem:$0x230] =	vst v1  }
0x33: {  	[tilespmem:$0x240] =	vst v1  }
0x34: {  	[tilespmem:$0x250] =	vst v1  }
0x35: {  	[tilespmem:$0x260] =	vst v1  }
0x36: {  	[tilespmem:$0x270] =	vst v1  }
0x37: {  	[tilespmem:$0x280] =	vst v1  }
0x38: {  	[tilespmem:$0x290] =	vst v1  }
0x39: {  	[tilespmem:$0x2A0] =	vst v1  }
0x3a: {  	[tilespmem:$0x2B0] =	vst v1  }
0x3b: {  	[tilespmem:$0x2C0] =	vst v1  }
0x3c: {  	[tilespmem:$0x2D0] =	vst v1  }
0x3d: {  	[tilespmem:$0x2E0] =	vst v1  }
0x3e: {  	[tilespmem:$0x2F0] =	vst v1  }
0x3f: {  	[tilespmem:$0x300] =	vst v1  }
0x40: {  	[tilespmem:$0x310] =	vst v1  }
0x41: {  	[tilespmem:$0x320] =	vst v1  }
0x42: {  	[tilespmem:$0x330] =	vst v1  }
0x43: {  	[tilespmem:$0x340] =	vst v1  }
0x44: {  	[tilespmem:$0x350] =	vst v1  }
0x45: {  	[tilespmem:$0x360] =	vst v1  }
0x46: {  	[tilespmem:$0x370] =	vst v1  }
0x47: {  	[tilespmem:$0x380] =	vst v1  }
0x48: {  	[tilespmem:$0x390] =	vst v1  }
0x49: {  	[tilespmem:$0x3A0] =	vst v1  }
0x4a: {  	[tilespmem:$0x3B0] =	vst v1  }
0x4b: {  	[tilespmem:$0x3C0] =	vst v1  }
0x4c: {  	[tilespmem:$0x3D0] =	vst v1  }
0x4d: {  	[tilespmem:$0x3E0] =	vst v1  }
0x4e: {  	[tilespmem:$0x3F0] =	vst v1  }
0x4f: {  	[spmem:s4] =	stream.linear.scatter [tilespmem:s12], [sflag:$0x5], $0x280, $0x38;
	[tilespmem:$0x680] =	vst v63  }
0x50: {  	_ =	swait.ge [sflag:s13], $0x280  }
0x51: {  	[sflag:s13] =	ssyncset.done $0x0  }
0x52: {  	[sflag:s13] =	ssyncadd.s32 $0xFFFFFD80  }
0x53: {  	[bflag:$0x0] =	sbarrier.arrive $0xFFFF  }
0x54: {  	[tilespmem:s3], [sflag:$0x1] =	stream.linear.gather [hbm4b:s5+s3], $0x80, $0x38;
	[tilespmem:$0x680] =	vst v63  }
0x55: {  	_ =	swait.ge [sflag:s14], $0x80  }
0x56: {  	[sflag:s14] =	ssyncset.done $0x0  }
0x57: {  	[sflag:s14] =	ssyncadd.s32 $0xFFFFFF80  }
0x58: {  	[spmem:s2] =	stream.indirect.scatter.add.f32 [tilespmem:s16], [sflag:$0x3], $0x1, s3, s15, $0xb8;
	[tilespmem:$0x680] =	vst v63  }
0x59: {  	_ = 	snop  }
0x5a: {  	[tilespmem:s15], [sflag:$0x2] =	stream.linear.gather [hbm4b:s8+s3], $0x80, $0x38;
	[tilespmem:$0x680] =	vst v63  }
0x5b: {  	_ =	swait.ge [sflag:s17], $0x80  }
0x5c: {  	[sflag:s17] =	ssyncset.done $0x0  }
0x5d: {  	[sflag:s17] =	ssyncadd.s32 $0xFFFFFF80  }
0x5e: {  	[spmem:s2] =	stream.indirect.scatter.add.f32 [tilespmem:s16], [sflag:$0x4], $0x1, s15, s15, $0xb8;
	[tilespmem:$0x680] =	vst v63  }
0x5f: {  	_ =	swait.ge [sflag:s18], $0x80  }
0x60: {  	[sflag:s18] =	ssyncset.done $0x0  }
0x61: {  	s21 =	simm.s32 $0x0;
	[sflag:s18] =	ssyncadd.s32 $0xFFFFFF80  }
0x62: {  	[tilespmem:s3], [sflag:$0x1] =	stream.linear.gather [hbm4b:s9+s3], $0x80, $0x38;
	[tilespmem:$0x680] =	vst v63  }
.LBB2_2:
0x63: {  	_ =	swait.ge [sflag:s14], $0x80  }
0x64: {  	[sflag:s14] =	ssyncset.done $0x0  }
0x65: {  	[sflag:s14] =	ssyncadd.s32 $0xFFFFFF80  }
0x66: {  	[spmem:s2] =	stream.indirect.scatter.add.f32 [tilespmem:s16], [sflag:$0x3], $0x1, s3, s15, $0xb8;
	[tilespmem:$0x680] =	vst v63  }
0x67: {  	_ =	swait.ge [sflag:s19], $0x80  }
0x68: {  	[sflag:s19] =	ssyncset.done $0x0  }
0x69: {  	s22 =	sadd.s32 s21, s11;
	[sflag:s19] =	ssyncadd.s32 $0xFFFFFF80  }
0x6a: {  	[tilespmem:s15], [sflag:$0x2] =	stream.linear.gather [hbm4b:s22+s3], $0x80, $0x38;
	[tilespmem:$0x680] =	vst v63  }
0x6b: {  	_ =	swait.ge [sflag:s17], $0x80  }
0x6c: {  	p0 =	seq.s32 s21, $0x4C0;
	[sflag:s17] =	ssyncset.done $0x0  }
.Ltmp2:
0x6d: {  	[sflag:s17] =	ssyncadd.s32 $0xFFFFFF80;
	(pc) =	sbr.rel @p0 .LBB2_4-.Ltmp2, $4  }
0x6e: {  	[spmem:s2] =	stream.indirect.scatter.add.f32 [tilespmem:s16], [sflag:$0x4], $0x1, s15, s15, $0xb8;
	[tilespmem:$0x680] =	vst v63  }
0x6f: {  	_ =	swait.ge [sflag:s18], $0x80  }
0x70: {  	[sflag:s18] =	ssyncset.done $0x0  }
0x71: {  	[sflag:s18] =	ssyncadd.s32 $0xFFFFFF80  }
.Ltmp3:
0x72: {  	(pc) =	sbr.rel .LBB2_2-.Ltmp3, $3  }
0x73: {  	_ =	sdelay $0x1  }
0x74: {  	s22 =	sadd.s32 s21, s10;
	s21 =	sadd.s32 $0x20, s21  }
0x75: {  	[tilespmem:s3], [sflag:$0x1] =	stream.linear.gather [hbm4b:s22+s3], $0x80, $0x38;
	[tilespmem:$0x680] =	vst v63  }
.LBB2_5:
0x76: {  	_ =	sfence.sel $0x180000  }
0x77: {  	[bflag:$0x0] =	sbarrier.arrive $0xFFFF  }
0x78: {  	p0 =	sne.s32 s0, $0x0;
	_ =	strace $0x90000047  }
0x79: {  	s0 =	sadd.s32 @!p0 $0x100000, s1;
	[bflag:$0x2] =	sbarrier.arrive $0xFFFF  }
0x7a: {  	[sflag:s0] =	ssyncadd.tile.s32 @!p0 $0x1;
	_ =	shalt  }
.Lfunc_end2:
_tile_overlayer_lowered:
.L_overlay_start_2:
0x7b: {  	(tag) =	ssettag $0x2  }
0x7c: {  	s0 =	rddreg [dreg:$0x0];
	s2 =	stileid.u32  }
0x7d: {  	s1 =	rddreg [dreg:$0x1];
	p0 =	sne.s32 s2, $0x0  }
0x7e: {  	s3 =	rddreg [dreg:$0x2];
	[bflag:$0x3] =	sbarrier.arrive $0xFFFF;
	s2 =	simm.s32 @!p0 $0x1C05  }
0x7f: {  	[timem:s3], [sflag:s2] =	dma.local @!p0 [hbm:s0], s1  }
0x80: {  	s0 =	simm.s32 @!p0 $0x5  }
0x81: {  	_ =	swait.ge @!p0 [sflag:s0], s1  }
0x82: {  	s1 =	ssub.s32 @!p0 $0x0, s1;
	[sflag:s0] =	ssyncset.done @!p0 $0x0  }
0x83: {  	[sflag:s0] =	ssyncadd.s32 @!p0 s1  }
0x84: {  	[bflag:$0x3] =	sbarrier.arrive $0xFFFF  }
0x85: {  	_ =	shalt  }

// kernel: kernel.13.cloned.1.call-start
scs
__scs_entry_jumppad:
0x0: {  	(pc) =	sbr.rel $0x88, $3  }
0x1: {  	(tag) =	ssettag $0x0;
	lr =	simm.s32 $0x1  }
0x2: {  	[smem:$0x3F93] =	sst lr;
	_ =	strace $0xD0000000  }
0x3: {  	_ = 	snop  }
0x4: {  	_ = 	snop  }
0x5: {  	_ = 	snop  }
0x6: {  	_ = 	snop  }
0x7: {  	_ = 	snop  }
__scs_overlays_trampoline_lowered:
0x8: {  	[smem:$0x3FA2] =	sst s0  }
0x9: {  	[smem:$0x3FA3] =	sst s1  }
0xa: {  	[smem:$0x3FA4] =	sst s2  }
0xb: {  	[smem:$0x3FA5] =	sst s3  }
0xc: {  	[smem:$0x3FA6] =	sst s4  }
0xd: {  	[smem:$0x3FA7] =	sst s5  }
0xe: {  	[smem:$0x3FA8] =	sst s6  }
0xf: {  	[smem:$0x3FA9] =	sst s7  }
0x10: {  	[smem:$0x3FAA] =	sst s8  }
0x11: {  	[smem:$0x3FAB] =	sst s9;
	s0 =	simm.s32 @!p0 $0x0  }
0x12: {  	s1 =	sld [smem:$0x3F91];
	s0 =	simm.s32 @p0 $0x1  }
0x13: {  	[smem:$0x3FAC] =	sst s0;
	s0 =	simm.s32 @!p1 $0x0  }
0x14: {  	s2 =	sld [smem:$0x3F90];
	s0 =	simm.s32 @p1 $0x1  }
0x15: {  	[smem:$0x3FAD] =	sst s0;
	s0 =	simm.s32 @!p2 $0x0  }
0x16: {  	s3 =	sld [smem:$0x3FDB];
	s0 =	simm.s32 @p2 $0x1  }
0x17: {  	s4 =	simm.s32 $0x1BF5;
	[smem:$0x3FAF] =	sst s0  }
0x18: {  	s0 =	sld [smem:$0x3F92];
	_ =	swait.ge [sflag:s4], $0x0  }
0x19: {  	s7 =	sld [smem:$0x3F93]  }
0x1a: {  	s8 =	sadd.s32 $0xFFFFE003, lr  }
0x1b: {  	s9 =	sadd.s32 $0xFFFFFEF7, lr;
	s5 =	simm.s32 $0xFFFFFFFF;
	p2 =	slt.u32 s8, $0xFFFFF086  }
0x1c: {  	p1 =	slt.u32 s9, $0xF7A;
	s5 =	simm.s32 @!p2 $0x0  }
0x1d: {  	s5 =	simm.s32 @p1 $0x1;
	p0 =	seq.s32 s7, s2  }
0x1e: {  	s7 =	smul.u32 @!p0 $0xF7A, s2;
	p2 =	seq.s32 @!p0 s5, $0x0  }
0x1f: {  	s9 =	smul.u32 $0xF7A, s1;
	s8 =	simm.s32 @!p0 $0x1BF5;
	p2 =	por !p2, p0  }
0x20: {  	[sflag:s8] =	ssyncset.s32 @!p0 $0xFFFFF086;
	s6 =	sadd.s32 @!p0 s3, s7;
	s7 =	simm.s32 @!p0 $0x108  }
0x21: {  	s3 =	sadd.s32 s3, s9;
	s6 =	sadd.s32 @!p0 $0x88, s6;
	s7 =	simm.s32 @p2 $0x1082  }
0x22: {  	[simem:s7], [sflag:s8] =	dma.local @!p0 [hbm:s6], $0xF7A  }
0x23: {  	s9 =	sor.u32 $0xD0000000, s2;
	s6 =	simm.s32 $0x108;
	_ =	swait.ge @!p0 [sflag:s8], $0x0  }
0x24: {  	s3 =	sadd.s32 $0x88, s3;
	s6 =	simm.s32 @!p1 $0x1082;
	[sflag:s4] =	ssyncset.s32 $0xFFFFF086  }
0x25: {  	[simem:s6], [sflag:s4] =	dma.local [hbm:s3], $0xF7A  }
0x26: {  	[smem:$0x3F93] =	sst s1;
	(tag) =	ssettag s2;
	_ =	strace s9  }
0x27: {  	s1 =	sld [smem:$0x3FA3]  }
0x28: {  	s2 =	sld [smem:$0x3FA4]  }
0x29: {  	s4 =	sld [smem:$0x3FA6]  }
0x2a: {  	p0 =	seq.s32 s5, $0x0;
	s5 =	sld [smem:$0x3FA7]  }
0x2b: {  	s6 =	sld [smem:$0x3FA8]  }
0x2c: {  	s7 =	sld [smem:$0x3FA9]  }
0x2d: {  	s3 =	simm.s32 $0x108;
	s8 =	sld [smem:$0x3FAA]  }
0x2e: {  	s3 =	simm.s32 @!p0 $0x1082;
	s9 =	sld [smem:$0x3FAB]  }
0x2f: {  	lr =	sadd.s32 s0, s3;
	s0 =	sld [smem:$0x3FA2]  }
0x30: {  	s3 =	sld [smem:$0x3FA5]  }
0x31: {  	[smem:$0x3FAE] =	sst s10  }
0x32: {  	s10 =	sld [smem:$0x3FAC];
	_ =	sdelay $0x3  }
0x33: {  	p0 =	seq.s32 s10, $0x1;
	s10 =	sld [smem:$0x3FAE];
	_ =	sdelay $0x3  }
0x34: {  	[smem:$0x3FAE] =	sst s10  }
0x35: {  	s10 =	sld [smem:$0x3FAD];
	_ =	sdelay $0x3  }
0x36: {  	p1 =	seq.s32 s10, $0x1;
	s10 =	sld [smem:$0x3FAE];
	_ =	sdelay $0x3  }
0x37: {  	[smem:$0x3FAE] =	sst s10  }
0x38: {  	s10 =	sld [smem:$0x3FAF]  }
0x39: {  	_ = 	snop;
	(pc) =	sbr.ind lr, $3  }
0x3a: {  	_ = 	snop  }
0x3b: {  	_ = 	snop  }
0x3c: {  	p2 =	seq.s32 s10, $0x1;
	s10 =	sld [smem:$0x3FAE]  }
0x3d: {  	_ =	shalt  }
0x3e: {  	_ =	shalt  }
0x3f: {  	_ =	shalt  }
0x40: {  	_ =	shalt  }
0x41: {  	_ =	shalt  }
0x42: {  	_ =	shalt  }
0x43: {  	_ =	shalt  }
0x44: {  	_ =	shalt  }
0x45: {  	_ =	shalt  }
0x46: {  	_ =	shalt  }
0x47: {  	_ =	shalt  }
0x48: {  	_ =	shalt  }
0x49: {  	_ =	shalt  }
0x4a: {  	_ =	shalt  }
0x4b: {  	_ =	shalt  }
0x4c: {  	_ =	shalt  }
0x4d: {  	_ =	shalt  }
0x4e: {  	_ =	shalt  }
0x4f: {  	_ =	shalt  }
0x50: {  	_ =	shalt  }
0x51: {  	_ =	shalt  }
0x52: {  	_ =	shalt  }
0x53: {  	_ =	shalt  }
0x54: {  	_ =	shalt  }
0x55: {  	_ =	shalt  }
0x56: {  	_ =	shalt  }
0x57: {  	_ =	shalt  }
0x58: {  	_ =	shalt  }
0x59: {  	_ =	shalt  }
0x5a: {  	_ =	shalt  }
0x5b: {  	_ =	shalt  }
0x5c: {  	_ =	shalt  }
0x5d: {  	_ =	shalt  }
0x5e: {  	_ =	shalt  }
0x5f: {  	_ =	shalt  }
0x60: {  	_ =	shalt  }
0x61: {  	_ =	shalt  }
0x62: {  	_ =	shalt  }
0x63: {  	_ =	shalt  }
0x64: {  	_ =	shalt  }
0x65: {  	_ =	shalt  }
0x66: {  	_ =	shalt  }
0x67: {  	_ =	shalt  }
0x68: {  	_ =	shalt  }
0x69: {  	_ =	shalt  }
0x6a: {  	_ =	shalt  }
0x6b: {  	_ =	shalt  }
0x6c: {  	_ =	shalt  }
0x6d: {  	_ =	shalt  }
0x6e: {  	_ =	shalt  }
0x6f: {  	_ =	shalt  }
0x70: {  	_ =	shalt  }
0x71: {  	_ =	shalt  }
0x72: {  	_ =	shalt  }
0x73: {  	_ =	shalt  }
0x74: {  	_ =	shalt  }
0x75: {  	_ =	shalt  }
0x76: {  	_ =	shalt  }
0x77: {  	_ =	shalt  }
0x78: {  	_ =	shalt  }
0x79: {  	_ =	shalt  }
0x7a: {  	_ =	shalt  }
0x7b: {  	_ =	shalt  }
0x7c: {  	_ =	shalt  }
0x7d: {  	_ =	shalt  }
0x7e: {  	_ =	shalt  }
0x7f: {  	_ =	shalt  }
0x80: {  	_ =	shalt  }
0x81: {  	_ =	shalt  }
0x82: {  	_ =	shalt  }
0x83: {  	_ =	shalt  }
0x84: {  	_ =	shalt  }
0x85: {  	_ =	shalt  }
0x86: {  	_ =	shalt  }
0x87: {  	_ =	shalt  }
.Lfunc_end0:
.L_simem_size_0:
called_computation.1_lowered:
.L_overlay_start_0:
0x88: {  	s2 =	sld [smem:$0x3FD9]  }
0x89: {  	s3 =	sld [smem:$0x3FFE];
	_ =	sdelay $0x1  }
0x8a: {  	s1 =	srdreg.scid  }
0x8b: {  	s0 =	sand.u32 $0x1, s1  }
0x8c: {  	s16 =	sshll.u32 s0, $0xA;
	s2 =	sadd.s32 s3, s2  }
0x8d: {  	s2 =	sadd.s32 s2, s16  }
0x8e: {  	[smem:$0x3FBA] =	sst s2  }
0x8f: {  	_ = 	snop  }
0x90: {  	(tm) =	ssettm $0x1  }
0x91: {  	s17 =	sld [smem:$0x3FFB];
	_ =	sdelay $0x3  }
0x92: {  	_ =	strace s17  }
0x93: {  	s2 =	sld [smem:$0x3FFC];
	_ =	sdelay $0x3  }
0x94: {  	_ =	strace s2  }
0x95: {  	s2 =	sld [smem:$0x3FFD];
	_ =	sdelay $0x3  }
0x96: {  	_ =	strace s2  }
0x97: {  	_ =	strace $0x8FFFFFFF  }
0x98: {  	s18 =	sld [smem:$0x3FDB];
	_ =	sdelay $0x1  }
0x99: {  	s19 =	simm.s32 $_scs_section_size  }
0x9a: {  	s4 =	simm.s32 $_size__tile_overlayer_lowered;
	s5 =	simm.s32 $_tile_overlayer_lowered  }
0x9b: {  	s22 =	simm.s32 $0x1BFF;
	s21 =	sshll.u32 s5, $0x1;
	s2 =	sadd.s32 s19, s18  }
0x9c: {  	s6 =	simm.s32 $0x0;
	s20 =	sshll.u32 s4, $0x1;
	s4 =	sadd.s32 s21, s2  }
0x9d: {  	[timem:s6], [sflag:s22] =	dma.local [hbm:s4], s20  }
0x9e: {  	_ =	swait.ge [sflag:s22], s20  }
0x9f: {  	s3 =	ssub.s32 $0x0, s20;
	[sflag:s22] =	ssyncset.done $0x0  }
0xa0: {  	[sflag:s22] =	ssyncadd.s32 s3;
	_ =	sdelay $0x1  }
0xa1: {  	s23 =	simm.s32 $0x1B8B  }
0xa2: {  	_ =	swait.ge [sflag:s23], $0x1  }
0xa3: {  	[sflag:s23] =	ssyncset.done $0x0  }
0xa4: {  	s25 =	simm.s32 $0x1B8E;
	s24 =	sld [smem:$0x3FFE];
	[sflag:s23] =	ssyncadd.s32 $0xFFFFFFFF  }
0xa5: {  	s26 =	simm.s32 $execute0_lowered;
	[smem:$0x3FD2] =	sst s25  }
0xa6: {  	s4 =	sshll.u32 s26, $0x1;
	_ =	strace $0x80000049;
	[dreg:$0x1] =	wrdreg $0xFFFFFFFF  }
0xa7: {  	s28 =	simm.s32 $_size_execute0_lowered;
	s2 =	sadd.s32 s2, s4;
	[dreg:$0x0] =	wrdreg $0x0  }
0xa8: {  	s4 =	sshll.u32 s28, $0x1;
	[dreg:$0x2] =	wrdreg s2  }
0xa9: {  	[dreg:$0x3] =	wrdreg s4  }
0xaa: {  	[dreg:$0x4] =	wrdreg $0xC0  }
0xab: {  	_ =	task [dreg:s6], $0x5FFFF  }
0xac: {  	[dreg:$0x1] =	wrdreg $0xFFFFFFFF  }
0xad: {  	[dreg:$0x0] =	wrdreg $0x60  }
0xae: {  	[dreg:$0x2] =	wrdreg s24  }
0xaf: {  	[dreg:$0x3] =	wrdreg $0x52000  }
0xb0: {  	[dreg:$0x4] =	wrdreg $0x9  }
0xb1: {  	_ =	task.clear_ibuf [dreg:s6], $0x5FFFF;
	_ =	strace $0x90000049  }
0xb2: {  	s29 =	simm.s32 $0x9;
	_ =	strace $0x8000004B  }
0xb3: {  	_ =	swait.ge [sflag:s29], $0x1  }
0xb4: {  	[sflag:s29] =	ssyncadd.s32 $0xFFFFFFFF  }
0xb5: {  	_ =	strace $0x9000004B  }
0xb6: {  	_ =	sfence  }
0xb7: {  	s30 =	sld [smem:$0x0];
	_ =	sdelay $0x2  }
0xb8: {  	s31 =	sshll.u32 s1, $0xD;
	s1 =	sshrl.u32 s1, $0x2  }
0xb9: {  	s3 =	sand.u32 $0x4000, s31;
	s1 =	sadd.s32 s1, s30  }
0xba: {  	s0 =	sor.u32 s3, s0;
	s1 =	sshll.u32 s1, $0x11  }
0xbb: {  	s0 =	sor.u32 s1, s0  }
0xbc: {  	s0 =	sadd.s32 $0x8F2B, s0  }
0xbd: {  	[sflag:s0] =	ssyncadd.remote.s32 $0x1  }
0xbe: {  	_ =	sfence.sel $0xFFFF  }
0xbf: {  	[dreg:$0x0] =	wrdreg $0xFFFFFFFF;
	(pc) =	sbr.abs _section_cstart, $3  }
0xc0: {  	[dreg:$0x1] =	wrdreg $0xFFFFFFFF  }
0xc1: {  	_ =	task.clear_ibuf [dreg:s6], $0x2FFFF;
	_ =	strace $0x9FFFFFFF  }
0xc2: {  	(tm) =	ssettm $0x7FFFFFFF  }
0xc3: {  	_ =	shalt  }
tec
execute0_lowered:
.L_overlay_start_1:
0x0: {  	(tag) =	ssettag $0x1  }
0x1: {  	s7 =	rddreg [dreg:$0x0]  }
0x2: {  	s2 =	rddreg [dreg:$0x1]  }
0x3: {  	s0 =	rddreg [dreg:$0x2];
	s3 =	simm.s32 $0x0  }
0x4: {  	s1 =	stileid.u32;
	s5 =	srdreg.scid;
	s18 =	simm.s32 $0x100  }
0x5: {  	s19 =	simm.s32 $0x2A00;
	s20 =	simm.s32 $0x1;
	s21 =	simm.s32 $0x80  }
0x6: {  	[smem:$0x7FF] =	sst s3;
	s9 =	smul.u32 $0x13800, s1;
	s4 =	sadd.s32 $0x2EC00, s7  }
0x7: {  	s11 =	sadd.s32 $0xF800, s7;
	s10 =	sand.u32 $0x1, s5;
	s8 =	smul.u32 $0x4E000, s1  }
0x8: {  	s12 =	sadd.s32 $0xA4200, s7;
	s28 =	sshll.u32 s1, $0x6;
	s16 =	sadd.s32 $0x138000, s2  }
0x9: {  	s30 =	smul.u32 $0xFA0, s1;
	p0 =	sne.s32 s1, $0xF;
	_ =	strace $0x8000004A  }
0xa: {  	s23 =	ssub.s32 $0x2, s10;
	s14 =	sshll.u32 s10, $0x4;
	s15 =	smul.u32 $0x138800, s10  }
0xb: {  	s17 =	smul.u32 $0xFA00, s10;
	s6 =	sshrl.u32 s9, $0x3;
	s13 =	sshrl.u32 s23, $0x1  }
0xc: {  	s24 =	sshrl.u32 s8, $0x2;
	s25 =	sor.u32 s1, s14;
	s14 =	simm.s32 $0x3  }
0xd: {  	s22 =	sadd.s32 s6, s7;
	s13 =	ssub.s32 s23, s13;
	s26 =	sadd.s32 s24, s2  }
0xe: {  	s8 =	smul.u32 $0xFA0, s25;
	s6 =	sor.u32 $0x1C03, s28;
	s7 =	sadd.s32 $0xA4000, s7  }
0xf: {  	s9 =	sadd.s32 s9, s15;
	s15 =	sshrl.u32 s15, $0x3;
	s31 =	sadd.s32 s17, s11  }
0x10: {  	s17 =	simm.s32 $0x200;
	s23 =	simm.s32 $0x180;
	s24 =	simm.s32 $0x0  }
0x11: {  	s5 =	sadd.s32 $0x7D000, s22;
	s9 =	sshrl.u32 s9, $0x3;
	s29 =	sadd.s32 s12, s15  }
0x12: {  	s15 =	sshrl.u32 @!p0 s16, $0x3;
	s16 =	simm.s32 $0x50;
	s22 =	simm.s32 $0x2  }
0x13: {  	s8 =	sadd.s32 s11, s8;
	s9 =	sadd.s32 s12, s9;
	s10 =	sadd.s32 $0x27000, s29  }
0x14: {  	s11 =	smax.u32 s13, $0x1;
	s12 =	sadd.s32 s30, s31;
	s13 =	sshrl.u32 s26, $0x3  }
.LBB2_1:
0x15: {  	[spmem:s13], [sflag:s6] =	dma.local [hbm:s5], $0x2700  }
0x16: {  	_ =	swait.ge [sflag:s14], $0x2700  }
0x17: {  	[sflag:s14] =	ssyncset.done $0x0  }
0x18: {  	s25 =	simm.s32 @!p0 $0x3;
	[sflag:s14] =	ssyncadd.s32 $0xFFFFD900  }
0x19: {  	[spmem:s15], [sflag:s6] =	dma.local @!p0 [hbm:s7], $0x100  }
0x1a: {  	_ =	swait.ge @!p0 [sflag:s25], $0x100  }
0x1b: {  	[sflag:s25] =	ssyncset.done @!p0 $0x0  }
0x1c: {  	[sflag:s25] =	ssyncadd.s32 @!p0 $0xFFFFFF00  }
0x1d: {  	[bflag:$0x0] =	sbarrier.arrive $0xFFFF  }
0x1e: {  	[tilespmem:s3], [sflag:$0x3] =	stream.linear.gather [hbm4b:s8+s3], $0x100, $0x38;
	[tilespmem:$0x18A80] =	vst v63  }
0x1f: {  	_ =	swait.ge [sflag:s14], $0x100  }
0x20: {  	[sflag:s14] =	ssyncset.done $0x0  }
0x21: {  	s31 =	sadd.s32 $0xFFFFF080, s12;
	[sflag:s14] =	ssyncadd.s32 $0xFFFFFF00  }
0x22: {  	[tilespmem:s17], [sflag:$0x1] =	stream.indirect.gather [hbm4b:s4+s16], $0x80, s3, s16, $0xb8;
	[tilespmem:$0x18A80] =	vst v63  }
0x23: {  	s26 =	sadd.s32 $0xFA0, s31  }
0x24: {  	[tilespmem:s18], [sflag:$0x3] =	stream.linear.gather [hbm4b:s26+s3], $0x100, $0x38;
	[tilespmem:$0x18A80] =	vst v63  }
0x25: {  	_ =	swait.ge [sflag:s14], $0x100  }
0x26: {  	[sflag:s14] =	ssyncset.done $0x0  }
0x27: {  	[sflag:s14] =	ssyncadd.s32 $0xFFFFFF00  }
0x28: {  	[tilespmem:s19], [sflag:$0x2] =	stream.indirect.gather [hbm4b:s4+s16], $0x80, s18, s16, $0xb8;
	[tilespmem:$0x18A80] =	vst v63  }
0x29: {  	_ =	swait.ge [sflag:s20], $0x2800  }
0x2a: {  	[sflag:s20] =	ssyncset.done $0x0  }
0x2b: {  	[sflag:s20] =	ssyncadd.s32 $0xFFFFD800  }
0x2c: {  	[spmem:s2] =	stream.indirect.scatter.add.f32 [tilespmem:s17], [sflag:$0x3], $0x80, s21, s16, $0xb8;
	[tilespmem:$0x18A80] =	vst v63  }
0x2d: {  	_ =	swait.ge [sflag:s14], $0x2800  }
0x2e: {  	[sflag:s14] =	ssyncset.done $0x0  }
0x2f: {  	s25 =	sadd.s32 $0xFC0, s31;
	[sflag:s14] =	ssyncadd.s32 $0xFFFFD800  }
0x30: {  	[tilespmem:s3], [sflag:$0x3] =	stream.linear.gather [hbm4b:s25+s3], $0x100, $0x38;
	[tilespmem:$0x18A80] =	vst v63  }
0x31: {  	_ =	swait.ge [sflag:s14], $0x100  }
0x32: {  	[sflag:s14] =	ssyncset.done $0x0  }
0x33: {  	[sflag:s14] =	ssyncadd.s32 $0xFFFFFF00  }
0x34: {  	[tilespmem:s17], [sflag:$0x1] =	stream.indirect.gather [hbm4b:s4+s16], $0x80, s3, s16, $0xb8;
	[tilespmem:$0x18A80] =	vst v63  }
0x35: {  	_ =	swait.ge [sflag:s22], $0x2800  }
0x36: {  	[sflag:s22] =	ssyncset.done $0x0  }
0x37: {  	[sflag:s22] =	ssyncadd.s32 $0xFFFFD800  }
0x38: {  	[spmem:s2] =	stream.indirect.scatter.add.f32 [tilespmem:s19], [sflag:$0x3], $0x80, s23, s16, $0xb8;
	[tilespmem:$0x18A80] =	vst v63  }
0x39: {  	_ =	swait.ge [sflag:s14], $0x2800  }
0x3a: {  	s26 =	simm.s32 $0xFFFFF100;
	s25 =	sadd.s32 $0xFFFFF0C0, s12;
	[sflag:s14] =	ssyncset.done $0x0  }
.LBB2_2:
0x3b: {  	s28 =	sadd.s32 $0xFA0, s25  }
0x3c: {  	[sflag:s14] =	ssyncadd.s32 $0xFFFFD800;
	s29 =	smov.u32 s26;
	s30 =	sadd.s32 $0x40, s26  }
0x3d: {  	[tilespmem:s18], [sflag:$0x3] =	stream.linear.gather [hbm4b:s28+s3], $0x100, $0x38;
	[tilespmem:$0x18A80] =	vst v63  }
0x3e: {  	p1 =	sne.s32 s26, $0xFFFFFFC0;
	_ =	swait.ge [sflag:s14], $0x100  }
0x3f: {  	[sflag:s14] =	ssyncset.done $0x0  }
0x40: {  	[sflag:s14] =	ssyncadd.s32 $0xFFFFFF00  }
0x41: {  	[tilespmem:s19], [sflag:$0x2] =	stream.indirect.gather [hbm4b:s4+s16], $0x80, s18, s16, $0xb8;
	[tilespmem:$0x18A80] =	vst v63  }
0x42: {  	_ =	swait.ge [sflag:s20], $0x2800  }
0x43: {  	[sflag:s20] =	ssyncset.done $0x0  }
0x44: {  	[sflag:s20] =	ssyncadd.s32 $0xFFFFD800  }
0x45: {  	[spmem:s2] =	stream.indirect.scatter.add.f32 [tilespmem:s17], [sflag:$0x3], $0x80, s21, s16, $0xb8;
	[tilespmem:$0x18A80] =	vst v63  }
0x46: {  	_ =	swait.ge [sflag:s14], $0x2800  }
0x47: {  	[sflag:s14] =	ssyncset.done $0x0  }
0x48: {  	s25 =	sadd.s32 $0xFC0, s25;
	[sflag:s14] =	ssyncadd.s32 $0xFFFFD800  }
0x49: {  	[tilespmem:s3], [sflag:$0x3] =	stream.linear.gather [hbm4b:s25+s3], $0x100, $0x38;
	[tilespmem:$0x18A80] =	vst v63  }
0x4a: {  	_ =	swait.ge [sflag:s14], $0x100  }
0x4b: {  	[sflag:s14] =	ssyncset.done $0x0  }
0x4c: {  	[sflag:s14] =	ssyncadd.s32 $0xFFFFFF00  }
0x4d: {  	[tilespmem:s17], [sflag:$0x1] =	stream.indirect.gather [hbm4b:s4+s16], $0x80, s3, s16, $0xb8;
	[tilespmem:$0x18A80] =	vst v63  }
0x4e: {  	_ =	swait.ge [sflag:s22], $0x2800  }
.Ltmp0:
0x4f: {  	[sflag:s22] =	ssyncset.done $0x0;
	(pc) =	sbr.rel @p1 .LBB2_2-.Ltmp0, $4  }
0x50: {  	[sflag:s22] =	ssyncadd.s32 $0xFFFFD800  }
0x51: {  	[spmem:s2] =	stream.indirect.scatter.add.f32 [tilespmem:s19], [sflag:$0x3], $0x80, s23, s16, $0xb8;
	[tilespmem:$0x18A80] =	vst v63  }
0x52: {  	_ =	swait.ge [sflag:s14], $0x2800  }
0x53: {  	s26 =	smov.u32 s30;
	s25 =	sadd.s32 s29, s12;
	[sflag:s14] =	ssyncset.done $0x0  }
0x54: {  	s26 =	sadd.s32 $0xFA0, s25;
	[sflag:s14] =	ssyncadd.s32 $0xFFFFD800  }
0x55: {  	[tilespmem:s18], [sflag:$0x3] =	stream.linear.gather [hbm4b:s26+s3], $0x100, $0x38;
	[tilespmem:$0x18A80] =	vst v63  }
0x56: {  	_ =	swait.ge [sflag:s14], $0x100  }
0x57: {  	[sflag:s14] =	ssyncset.done $0x0  }
0x58: {  	[sflag:s14] =	ssyncadd.s32 $0xFFFFFF00  }
0x59: {  	[tilespmem:s19], [sflag:$0x2] =	stream.indirect.gather [hbm4b:s4+s16], $0x80, s18, s16, $0xb8;
	[tilespmem:$0x18A80] =	vst v63  }
0x5a: {  	_ =	swait.ge [sflag:s20], $0x2800  }
0x5b: {  	[sflag:s20] =	ssyncset.done $0x0  }
0x5c: {  	[sflag:s20] =	ssyncadd.s32 $0xFFFFD800  }
0x5d: {  	[spmem:s2] =	stream.indirect.scatter.add.f32 [tilespmem:s17], [sflag:$0x3], $0x80, s21, s16, $0xb8;
	[tilespmem:$0x18A80] =	vst v63  }
0x5e: {  	_ =	swait.ge [sflag:s14], $0x2800  }
0x5f: {  	[sflag:s14] =	ssyncset.done $0x0  }
0x60: {  	s31 =	sadd.s32 $0xFC0, s25;
	[sflag:s14] =	ssyncadd.s32 $0xFFFFD800  }
0x61: {  	[tilespmem:s3], [sflag:$0x3] =	stream.linear.gather [hbm4b:s31+s3], $0x100, $0x38;
	[tilespmem:$0x18A80] =	vst v63  }
0x62: {  	_ =	swait.ge [sflag:s14], $0x100  }
0x63: {  	[sflag:s14] =	ssyncset.done $0x0  }
0x64: {  	[sflag:s14] =	ssyncadd.s32 $0xFFFFFF00  }
0x65: {  	[tilespmem:s17], [sflag:$0x1] =	stream.indirect.gather [hbm4b:s4+s16], $0x80, s3, s16, $0xb8;
	[tilespmem:$0x18A80] =	vst v63  }
0x66: {  	_ =	swait.ge [sflag:s22], $0x2800  }
0x67: {  	[sflag:s22] =	ssyncset.done $0x0  }
0x68: {  	[sflag:s22] =	ssyncadd.s32 $0xFFFFD800  }
0x69: {  	[spmem:s2] =	stream.indirect.scatter.add.f32 [tilespmem:s19], [sflag:$0x3], $0x80, s23, s16, $0xb8;
	[tilespmem:$0x18A80] =	vst v63  }
0x6a: {  	_ =	swait.ge [sflag:s14], $0x2800  }
0x6b: {  	[sflag:s14] =	ssyncset.done $0x0  }
0x6c: {  	[sflag:s14] =	ssyncadd.s32 $0xFFFFD800  }
0x6d: {  	_ =	swait.ge [sflag:s20], $0x2800  }
0x6e: {  	[sflag:s20] =	ssyncset.done $0x0  }
0x6f: {  	[sflag:s20] =	ssyncadd.s32 $0xFFFFD800  }
0x70: {  	[spmem:s2] =	stream.indirect.scatter.add.f32 [tilespmem:s17], [sflag:$0x3], $0x80, s21, s16, $0xb8;
	[tilespmem:$0x18A80] =	vst v63  }
0x71: {  	_ =	swait.ge [sflag:s14], $0x2800  }
0x72: {  	[sflag:s14] =	ssyncset.done $0x0  }
0x73: {  	[sflag:s14] =	ssyncadd.s32 $0xFFFFD800  }
0x74: {  	[bflag:$0x0] =	sbarrier.arrive $0xFFFF  }
0x75: {  	[hbm:s9], [sflag:s6] =	dma.local [spmem:s13], $0x2700  }
0x76: {  	s24 =	sadd.s32 $0x1, s24;
	_ =	swait.ge [sflag:s14], $0x2700  }
0x77: {  	p1 =	sne.s32 s24, s11;
	[sflag:s14] =	ssyncset.done $0x0  }
.Ltmp1:
0x78: {  	s25 =	simm.s32 @!p0 $0x3;
	[sflag:s14] =	ssyncadd.s32 $0xFFFFD900;
	(pc) =	sbr.rel @p1 .LBB2_1-.Ltmp1, $4  }
0x79: {  	[hbm:s10], [sflag:s6] =	dma.local @!p0 [spmem:s15], $0x100  }
0x7a: {  	_ =	swait.ge @!p0 [sflag:s25], $0x100  }
0x7b: {  	[sflag:s25] =	ssyncset.done @!p0 $0x0  }
0x7c: {  	[sflag:s25] =	ssyncadd.s32 @!p0 $0xFFFFFF00  }
0x7d: {  	_ =	sfence.sel $0x180000  }
0x7e: {  	[bflag:$0x0] =	sbarrier.arrive $0xFFFF  }
0x7f: {  	p0 =	sne.s32 s1, $0x0;
	_ =	strace $0x9000004A  }
0x80: {  	s0 =	sadd.s32 @!p0 $0x100000, s0;
	[bflag:$0x2] =	sbarrier.arrive $0xFFFF  }
0x81: {  	[sflag:s0] =	ssyncadd.tile.s32 @!p0 $0x1;
	_ =	shalt  }
.Lfunc_end2:
_tile_overlayer_lowered:
.L_overlay_start_2:
0x82: {  	(tag) =	ssettag $0x2  }
0x83: {  	s0 =	rddreg [dreg:$0x0];
	s2 =	stileid.u32  }
0x84: {  	s1 =	rddreg [dreg:$0x1];
	p0 =	sne.s32 s2, $0x0  }
0x85: {  	s3 =	rddreg [dreg:$0x2];
	[bflag:$0x3] =	sbarrier.arrive $0xFFFF;
	s2 =	simm.s32 @!p0 $0x1C03  }
0x86: {  	[timem:s3], [sflag:s2] =	dma.local @!p0 [hbm:s0], s1  }
0x87: {  	s0 =	simm.s32 @!p0 $0x3  }
0x88: {  	_ =	swait.ge @!p0 [sflag:s0], s1  }
0x89: {  	s1 =	ssub.s32 @!p0 $0x0, s1;
	[sflag:s0] =	ssyncset.done @!p0 $0x0  }
0x8a: {  	[sflag:s0] =	ssyncadd.s32 @!p0 s1  }
0x8b: {  	[bflag:$0x3] =	sbarrier.arrive $0xFFFF  }
0x8c: {  	_ =	shalt  }

// kernel: kernel.16.cloned.1.call-start
scs
__scs_entry_jumppad:
0x0: {  	(pc) =	sbr.rel $0x88, $3  }
0x1: {  	(tag) =	ssettag $0x0;
	lr =	simm.s32 $0x1  }
0x2: {  	[smem:$0x3F93] =	sst lr;
	_ =	strace $0xD0000000  }
0x3: {  	_ = 	snop  }
0x4: {  	_ = 	snop  }
0x5: {  	_ = 	snop  }
0x6: {  	_ = 	snop  }
0x7: {  	_ = 	snop  }
__scs_overlays_trampoline_lowered:
0x8: {  	[smem:$0x3FA2] =	sst s0  }
0x9: {  	[smem:$0x3FA3] =	sst s1  }
0xa: {  	[smem:$0x3FA4] =	sst s2  }
0xb: {  	[smem:$0x3FA5] =	sst s3  }
0xc: {  	[smem:$0x3FA6] =	sst s4  }
0xd: {  	[smem:$0x3FA7] =	sst s5  }
0xe: {  	[smem:$0x3FA8] =	sst s6  }
0xf: {  	[smem:$0x3FA9] =	sst s7  }
0x10: {  	[smem:$0x3FAA] =	sst s8  }
0x11: {  	[smem:$0x3FAB] =	sst s9;
	s0 =	simm.s32 @!p0 $0x0  }
0x12: {  	s1 =	sld [smem:$0x3F91];
	s0 =	simm.s32 @p0 $0x1  }
0x13: {  	[smem:$0x3FAC] =	sst s0;
	s0 =	simm.s32 @!p1 $0x0  }
0x14: {  	s2 =	sld [smem:$0x3F90];
	s0 =	simm.s32 @p1 $0x1  }
0x15: {  	[smem:$0x3FAD] =	sst s0;
	s0 =	simm.s32 @!p2 $0x0  }
0x16: {  	s3 =	sld [smem:$0x3FDB];
	s0 =	simm.s32 @p2 $0x1  }
0x17: {  	s4 =	simm.s32 $0x1BF5;
	[smem:$0x3FAF] =	sst s0  }
0x18: {  	s0 =	sld [smem:$0x3F92];
	_ =	swait.ge [sflag:s4], $0x0  }
0x19: {  	s7 =	sld [smem:$0x3F93]  }
0x1a: {  	s8 =	sadd.s32 $0xFFFFE003, lr  }
0x1b: {  	s9 =	sadd.s32 $0xFFFFFEF7, lr;
	s5 =	simm.s32 $0xFFFFFFFF;
	p2 =	slt.u32 s8, $0xFFFFF086  }
0x1c: {  	p1 =	slt.u32 s9, $0xF7A;
	s5 =	simm.s32 @!p2 $0x0  }
0x1d: {  	s5 =	simm.s32 @p1 $0x1;
	p0 =	seq.s32 s7, s2  }
0x1e: {  	s7 =	smul.u32 @!p0 $0xF7A, s2;
	p2 =	seq.s32 @!p0 s5, $0x0  }
0x1f: {  	s9 =	smul.u32 $0xF7A, s1;
	s8 =	simm.s32 @!p0 $0x1BF5;
	p2 =	por !p2, p0  }
0x20: {  	[sflag:s8] =	ssyncset.s32 @!p0 $0xFFFFF086;
	s6 =	sadd.s32 @!p0 s3, s7;
	s7 =	simm.s32 @!p0 $0x108  }
0x21: {  	s3 =	sadd.s32 s3, s9;
	s6 =	sadd.s32 @!p0 $0x88, s6;
	s7 =	simm.s32 @p2 $0x1082  }
0x22: {  	[simem:s7], [sflag:s8] =	dma.local @!p0 [hbm:s6], $0xF7A  }
0x23: {  	s9 =	sor.u32 $0xD0000000, s2;
	s6 =	simm.s32 $0x108;
	_ =	swait.ge @!p0 [sflag:s8], $0x0  }
0x24: {  	s3 =	sadd.s32 $0x88, s3;
	s6 =	simm.s32 @!p1 $0x1082;
	[sflag:s4] =	ssyncset.s32 $0xFFFFF086  }
0x25: {  	[simem:s6], [sflag:s4] =	dma.local [hbm:s3], $0xF7A  }
0x26: {  	[smem:$0x3F93] =	sst s1;
	(tag) =	ssettag s2;
	_ =	strace s9  }
0x27: {  	s1 =	sld [smem:$0x3FA3]  }
0x28: {  	s2 =	sld [smem:$0x3FA4]  }
0x29: {  	s4 =	sld [smem:$0x3FA6]  }
0x2a: {  	p0 =	seq.s32 s5, $0x0;
	s5 =	sld [smem:$0x3FA7]  }
0x2b: {  	s6 =	sld [smem:$0x3FA8]  }
0x2c: {  	s7 =	sld [smem:$0x3FA9]  }
0x2d: {  	s3 =	simm.s32 $0x108;
	s8 =	sld [smem:$0x3FAA]  }
0x2e: {  	s3 =	simm.s32 @!p0 $0x1082;
	s9 =	sld [smem:$0x3FAB]  }
0x2f: {  	lr =	sadd.s32 s0, s3;
	s0 =	sld [smem:$0x3FA2]  }
0x30: {  	s3 =	sld [smem:$0x3FA5]  }
0x31: {  	[smem:$0x3FAE] =	sst s10  }
0x32: {  	s10 =	sld [smem:$0x3FAC];
	_ =	sdelay $0x3  }
0x33: {  	p0 =	seq.s32 s10, $0x1;
	s10 =	sld [smem:$0x3FAE];
	_ =	sdelay $0x3  }
0x34: {  	[smem:$0x3FAE] =	sst s10  }
0x35: {  	s10 =	sld [smem:$0x3FAD];
	_ =	sdelay $0x3  }
0x36: {  	p1 =	seq.s32 s10, $0x1;
	s10 =	sld [smem:$0x3FAE];
	_ =	sdelay $0x3  }
0x37: {  	[smem:$0x3FAE] =	sst s10  }
0x38: {  	s10 =	sld [smem:$0x3FAF]  }
0x39: {  	_ = 	snop;
	(pc) =	sbr.ind lr, $3  }
0x3a: {  	_ = 	snop  }
0x3b: {  	_ = 	snop  }
0x3c: {  	p2 =	seq.s32 s10, $0x1;
	s10 =	sld [smem:$0x3FAE]  }
0x3d: {  	_ =	shalt  }
0x3e: {  	_ =	shalt  }
0x3f: {  	_ =	shalt  }
0x40: {  	_ =	shalt  }
0x41: {  	_ =	shalt  }
0x42: {  	_ =	shalt  }
0x43: {  	_ =	shalt  }
0x44: {  	_ =	shalt  }
0x45: {  	_ =	shalt  }
0x46: {  	_ =	shalt  }
0x47: {  	_ =	shalt  }
0x48: {  	_ =	shalt  }
0x49: {  	_ =	shalt  }
0x4a: {  	_ =	shalt  }
0x4b: {  	_ =	shalt  }
0x4c: {  	_ =	shalt  }
0x4d: {  	_ =	shalt  }
0x4e: {  	_ =	shalt  }
0x4f: {  	_ =	shalt  }
0x50: {  	_ =	shalt  }
0x51: {  	_ =	shalt  }
0x52: {  	_ =	shalt  }
0x53: {  	_ =	shalt  }
0x54: {  	_ =	shalt  }
0x55: {  	_ =	shalt  }
0x56: {  	_ =	shalt  }
0x57: {  	_ =	shalt  }
0x58: {  	_ =	shalt  }
0x59: {  	_ =	shalt  }
0x5a: {  	_ =	shalt  }
0x5b: {  	_ =	shalt  }
0x5c: {  	_ =	shalt  }
0x5d: {  	_ =	shalt  }
0x5e: {  	_ =	shalt  }
0x5f: {  	_ =	shalt  }
0x60: {  	_ =	shalt  }
0x61: {  	_ =	shalt  }
0x62: {  	_ =	shalt  }
0x63: {  	_ =	shalt  }
0x64: {  	_ =	shalt  }
0x65: {  	_ =	shalt  }
0x66: {  	_ =	shalt  }
0x67: {  	_ =	shalt  }
0x68: {  	_ =	shalt  }
0x69: {  	_ =	shalt  }
0x6a: {  	_ =	shalt  }
0x6b: {  	_ =	shalt  }
0x6c: {  	_ =	shalt  }
0x6d: {  	_ =	shalt  }
0x6e: {  	_ =	shalt  }
0x6f: {  	_ =	shalt  }
0x70: {  	_ =	shalt  }
0x71: {  	_ =	shalt  }
0x72: {  	_ =	shalt  }
0x73: {  	_ =	shalt  }
0x74: {  	_ =	shalt  }
0x75: {  	_ =	shalt  }
0x76: {  	_ =	shalt  }
0x77: {  	_ =	shalt  }
0x78: {  	_ =	shalt  }
0x79: {  	_ =	shalt  }
0x7a: {  	_ =	shalt  }
0x7b: {  	_ =	shalt  }
0x7c: {  	_ =	shalt  }
0x7d: {  	_ =	shalt  }
0x7e: {  	_ =	shalt  }
0x7f: {  	_ =	shalt  }
0x80: {  	_ =	shalt  }
0x81: {  	_ =	shalt  }
0x82: {  	_ =	shalt  }
0x83: {  	_ =	shalt  }
0x84: {  	_ =	shalt  }
0x85: {  	_ =	shalt  }
0x86: {  	_ =	shalt  }
0x87: {  	_ =	shalt  }
.Lfunc_end0:
.L_simem_size_0:
called_computation.2_lowered:
.L_overlay_start_0:
0x88: {  	s2 =	sld [smem:$0x3FD9]  }
0x89: {  	s3 =	sld [smem:$0x3FFE];
	_ =	sdelay $0x1  }
0x8a: {  	s1 =	srdreg.scid  }
0x8b: {  	s0 =	sand.u32 $0x1, s1  }
0x8c: {  	s16 =	sshll.u32 s0, $0xA;
	s2 =	sadd.s32 s3, s2  }
0x8d: {  	s2 =	sadd.s32 s2, s16  }
0x8e: {  	[smem:$0x3FBA] =	sst s2  }
0x8f: {  	_ = 	snop  }
0x90: {  	(tm) =	ssettm $0x1  }
0x91: {  	s17 =	sld [smem:$0x3FFB];
	_ =	sdelay $0x3  }
0x92: {  	_ =	strace s17  }
0x93: {  	s2 =	sld [smem:$0x3FFC];
	_ =	sdelay $0x3  }
0x94: {  	_ =	strace s2  }
0x95: {  	s2 =	sld [smem:$0x3FFD];
	_ =	sdelay $0x3  }
0x96: {  	_ =	strace s2  }
0x97: {  	_ =	strace $0x8FFFFFFF  }
0x98: {  	s18 =	sld [smem:$0x3FDB];
	_ =	sdelay $0x1  }
0x99: {  	s19 =	simm.s32 $_scs_section_size  }
0x9a: {  	s4 =	simm.s32 $_size__tile_overlayer_lowered;
	s5 =	simm.s32 $_tile_overlayer_lowered  }
0x9b: {  	s22 =	simm.s32 $0x1BFF;
	s21 =	sshll.u32 s5, $0x1;
	s2 =	sadd.s32 s19, s18  }
0x9c: {  	s6 =	simm.s32 $0x0;
	s20 =	sshll.u32 s4, $0x1;
	s4 =	sadd.s32 s21, s2  }
0x9d: {  	[timem:s6], [sflag:s22] =	dma.local [hbm:s4], s20  }
0x9e: {  	_ =	swait.ge [sflag:s22], s20  }
0x9f: {  	s3 =	ssub.s32 $0x0, s20;
	[sflag:s22] =	ssyncset.done $0x0  }
0xa0: {  	[sflag:s22] =	ssyncadd.s32 s3;
	_ =	sdelay $0x1  }
0xa1: {  	s23 =	simm.s32 $0x1B8B  }
0xa2: {  	_ =	swait.ge [sflag:s23], $0x1  }
0xa3: {  	[sflag:s23] =	ssyncset.done $0x0  }
0xa4: {  	s25 =	simm.s32 $0x1B8E;
	s24 =	sld [smem:$0x3FFE];
	[sflag:s23] =	ssyncadd.s32 $0xFFFFFFFF  }
0xa5: {  	s26 =	simm.s32 $execute0_lowered;
	[smem:$0x3FD2] =	sst s25  }
0xa6: {  	s4 =	sshll.u32 s26, $0x1;
	_ =	strace $0x8000004C;
	[dreg:$0x1] =	wrdreg $0xFFFFFFFF  }
0xa7: {  	s28 =	simm.s32 $_size_execute0_lowered;
	s2 =	sadd.s32 s2, s4;
	[dreg:$0x0] =	wrdreg $0x0  }
0xa8: {  	s4 =	sshll.u32 s28, $0x1;
	[dreg:$0x2] =	wrdreg s2  }
0xa9: {  	[dreg:$0x3] =	wrdreg s4  }
0xaa: {  	[dreg:$0x4] =	wrdreg $0xC0  }
0xab: {  	_ =	task [dreg:s6], $0x5FFFF  }
0xac: {  	[dreg:$0x1] =	wrdreg $0xFFFFFFFF  }
0xad: {  	[dreg:$0x0] =	wrdreg $0x60  }
0xae: {  	[dreg:$0x2] =	wrdreg s24  }
0xaf: {  	[dreg:$0x3] =	wrdreg $0x52000  }
0xb0: {  	[dreg:$0x4] =	wrdreg $0x9  }
0xb1: {  	_ =	task.clear_ibuf [dreg:s6], $0x5FFFF;
	_ =	strace $0x9000004C  }
0xb2: {  	s29 =	simm.s32 $0x9;
	_ =	strace $0x8000004E  }
0xb3: {  	_ =	swait.ge [sflag:s29], $0x1  }
0xb4: {  	[sflag:s29] =	ssyncadd.s32 $0xFFFFFFFF  }
0xb5: {  	_ =	strace $0x9000004E  }
0xb6: {  	_ =	sfence  }
0xb7: {  	s30 =	sld [smem:$0x0];
	_ =	sdelay $0x2  }
0xb8: {  	s31 =	sshll.u32 s1, $0xD;
	s1 =	sshrl.u32 s1, $0x2  }
0xb9: {  	s3 =	sand.u32 $0x4000, s31;
	s1 =	sadd.s32 s1, s30  }
0xba: {  	s0 =	sor.u32 s3, s0;
	s1 =	sshll.u32 s1, $0x11  }
0xbb: {  	s0 =	sor.u32 s1, s0  }
0xbc: {  	s0 =	sadd.s32 $0x8F2B, s0  }
0xbd: {  	[sflag:s0] =	ssyncadd.remote.s32 $0x1  }
0xbe: {  	_ =	sfence.sel $0xFFFF  }
0xbf: {  	[dreg:$0x0] =	wrdreg $0xFFFFFFFF;
	(pc) =	sbr.abs _section_cstart, $3  }
0xc0: {  	[dreg:$0x1] =	wrdreg $0xFFFFFFFF  }
0xc1: {  	_ =	task.clear_ibuf [dreg:s6], $0x2FFFF;
	_ =	strace $0x9FFFFFFF  }
0xc2: {  	(tm) =	ssettm $0x7FFFFFFF  }
0xc3: {  	_ =	shalt  }
tec
execute0_lowered:
.L_overlay_start_1:
0x0: {  	(tag) =	ssettag $0x1  }
0x1: {  	s7 =	rddreg [dreg:$0x0]  }
0x2: {  	s2 =	rddreg [dreg:$0x1]  }
0x3: {  	s0 =	rddreg [dreg:$0x2];
	s3 =	simm.s32 $0x0  }
0x4: {  	s1 =	stileid.u32;
	s5 =	srdreg.scid;
	s18 =	simm.s32 $0x100  }
0x5: {  	s19 =	simm.s32 $0x2A00;
	s20 =	simm.s32 $0x1;
	s21 =	simm.s32 $0x80  }
0x6: {  	[smem:$0x7FF] =	sst s3;
	s9 =	smul.u32 $0x13800, s1;
	s4 =	sadd.s32 $0x2EC00, s7  }
0x7: {  	s11 =	sadd.s32 $0xF800, s7;
	s10 =	sand.u32 $0x1, s5;
	s8 =	smul.u32 $0x4E000, s1  }
0x8: {  	s12 =	sadd.s32 $0xA4200, s7;
	s28 =	sshll.u32 s1, $0x6;
	s16 =	sadd.s32 $0x138000, s2  }
0x9: {  	s30 =	smul.u32 $0xFA0, s1;
	p0 =	sne.s32 s1, $0xF;
	_ =	strace $0x8000004D  }
0xa: {  	s23 =	ssub.s32 $0x2, s10;
	s14 =	sshll.u32 s10, $0x4;
	s15 =	smul.u32 $0x138800, s10  }
0xb: {  	s17 =	smul.u32 $0xFA00, s10;
	s6 =	sshrl.u32 s9, $0x3;
	s13 =	sshrl.u32 s23, $0x1  }
0xc: {  	s24 =	sshrl.u32 s8, $0x2;
	s25 =	sor.u32 s1, s14;
	s14 =	simm.s32 $0x3  }
0xd: {  	s22 =	sadd.s32 s6, s7;
	s13 =	ssub.s32 s23, s13;
	s26 =	sadd.s32 s24, s2  }
0xe: {  	s8 =	smul.u32 $0xFA0, s25;
	s6 =	sor.u32 $0x1C03, s28;
	s7 =	sadd.s32 $0xA4000, s7  }
0xf: {  	s9 =	sadd.s32 s9, s15;
	s15 =	sshrl.u32 s15, $0x3;
	s31 =	sadd.s32 s17, s11  }
0x10: {  	s17 =	simm.s32 $0x200;
	s23 =	simm.s32 $0x180;
	s24 =	simm.s32 $0x0  }
0x11: {  	s5 =	sadd.s32 $0x7D000, s22;
	s9 =	sshrl.u32 s9, $0x3;
	s29 =	sadd.s32 s12, s15  }
0x12: {  	s15 =	sshrl.u32 @!p0 s16, $0x3;
	s16 =	simm.s32 $0x50;
	s22 =	simm.s32 $0x2  }
0x13: {  	s8 =	sadd.s32 s11, s8;
	s9 =	sadd.s32 s12, s9;
	s10 =	sadd.s32 $0x27000, s29  }
0x14: {  	s11 =	smax.u32 s13, $0x1;
	s12 =	sadd.s32 s30, s31;
	s13 =	sshrl.u32 s26, $0x3  }
.LBB2_1:
0x15: {  	[spmem:s13], [sflag:s6] =	dma.local [hbm:s5], $0x2700  }
0x16: {  	_ =	swait.ge [sflag:s14], $0x2700  }
0x17: {  	[sflag:s14] =	ssyncset.done $0x0  }
0x18: {  	s25 =	simm.s32 @!p0 $0x3;
	[sflag:s14] =	ssyncadd.s32 $0xFFFFD900  }
0x19: {  	[spmem:s15], [sflag:s6] =	dma.local @!p0 [hbm:s7], $0x100  }
0x1a: {  	_ =	swait.ge @!p0 [sflag:s25], $0x100  }
0x1b: {  	[sflag:s25] =	ssyncset.done @!p0 $0x0  }
0x1c: {  	[sflag:s25] =	ssyncadd.s32 @!p0 $0xFFFFFF00  }
0x1d: {  	[bflag:$0x0] =	sbarrier.arrive $0xFFFF  }
0x1e: {  	[tilespmem:s3], [sflag:$0x3] =	stream.linear.gather [hbm4b:s8+s3], $0x100, $0x38;
	[tilespmem:$0x18A80] =	vst v63  }
0x1f: {  	_ =	swait.ge [sflag:s14], $0x100  }
0x20: {  	[sflag:s14] =	ssyncset.done $0x0  }
0x21: {  	s31 =	sadd.s32 $0xFFFFF080, s12;
	[sflag:s14] =	ssyncadd.s32 $0xFFFFFF00  }
0x22: {  	[tilespmem:s17], [sflag:$0x1] =	stream.indirect.gather [hbm4b:s4+s16], $0x80, s3, s16, $0xb8;
	[tilespmem:$0x18A80] =	vst v63  }
0x23: {  	s26 =	sadd.s32 $0xFA0, s31  }
0x24: {  	[tilespmem:s18], [sflag:$0x3] =	stream.linear.gather [hbm4b:s26+s3], $0x100, $0x38;
	[tilespmem:$0x18A80] =	vst v63  }
0x25: {  	_ =	swait.ge [sflag:s14], $0x100  }
0x26: {  	[sflag:s14] =	ssyncset.done $0x0  }
0x27: {  	[sflag:s14] =	ssyncadd.s32 $0xFFFFFF00  }
0x28: {  	[tilespmem:s19], [sflag:$0x2] =	stream.indirect.gather [hbm4b:s4+s16], $0x80, s18, s16, $0xb8;
	[tilespmem:$0x18A80] =	vst v63  }
0x29: {  	_ =	swait.ge [sflag:s20], $0x2800  }
0x2a: {  	[sflag:s20] =	ssyncset.done $0x0  }
0x2b: {  	[sflag:s20] =	ssyncadd.s32 $0xFFFFD800  }
0x2c: {  	[spmem:s2] =	stream.indirect.scatter.add.f32 [tilespmem:s17], [sflag:$0x3], $0x80, s21, s16, $0xb8;
	[tilespmem:$0x18A80] =	vst v63  }
0x2d: {  	_ =	swait.ge [sflag:s14], $0x2800  }
0x2e: {  	[sflag:s14] =	ssyncset.done $0x0  }
0x2f: {  	s25 =	sadd.s32 $0xFC0, s31;
	[sflag:s14] =	ssyncadd.s32 $0xFFFFD800  }
0x30: {  	[tilespmem:s3], [sflag:$0x3] =	stream.linear.gather [hbm4b:s25+s3], $0x100, $0x38;
	[tilespmem:$0x18A80] =	vst v63  }
0x31: {  	_ =	swait.ge [sflag:s14], $0x100  }
0x32: {  	[sflag:s14] =	ssyncset.done $0x0  }
0x33: {  	[sflag:s14] =	ssyncadd.s32 $0xFFFFFF00  }
0x34: {  	[tilespmem:s17], [sflag:$0x1] =	stream.indirect.gather [hbm4b:s4+s16], $0x80, s3, s16, $0xb8;
	[tilespmem:$0x18A80] =	vst v63  }
0x35: {  	_ =	swait.ge [sflag:s22], $0x2800  }
0x36: {  	[sflag:s22] =	ssyncset.done $0x0  }
0x37: {  	[sflag:s22] =	ssyncadd.s32 $0xFFFFD800  }
0x38: {  	[spmem:s2] =	stream.indirect.scatter.add.f32 [tilespmem:s19], [sflag:$0x3], $0x80, s23, s16, $0xb8;
	[tilespmem:$0x18A80] =	vst v63  }
0x39: {  	_ =	swait.ge [sflag:s14], $0x2800  }
0x3a: {  	s26 =	simm.s32 $0xFFFFF100;
	s25 =	sadd.s32 $0xFFFFF0C0, s12;
	[sflag:s14] =	ssyncset.done $0x0  }
.LBB2_2:
0x3b: {  	s28 =	sadd.s32 $0xFA0, s25  }
0x3c: {  	[sflag:s14] =	ssyncadd.s32 $0xFFFFD800;
	s29 =	smov.u32 s26;
	s30 =	sadd.s32 $0x40, s26  }
0x3d: {  	[tilespmem:s18], [sflag:$0x3] =	stream.linear.gather [hbm4b:s28+s3], $0x100, $0x38;
	[tilespmem:$0x18A80] =	vst v63  }
0x3e: {  	p1 =	sne.s32 s26, $0xFFFFFFC0;
	_ =	swait.ge [sflag:s14], $0x100  }
0x3f: {  	[sflag:s14] =	ssyncset.done $0x0  }
0x40: {  	[sflag:s14] =	ssyncadd.s32 $0xFFFFFF00  }
0x41: {  	[tilespmem:s19], [sflag:$0x2] =	stream.indirect.gather [hbm4b:s4+s16], $0x80, s18, s16, $0xb8;
	[tilespmem:$0x18A80] =	vst v63  }
0x42: {  	_ =	swait.ge [sflag:s20], $0x2800  }
0x43: {  	[sflag:s20] =	ssyncset.done $0x0  }
0x44: {  	[sflag:s20] =	ssyncadd.s32 $0xFFFFD800  }
0x45: {  	[spmem:s2] =	stream.indirect.scatter.add.f32 [tilespmem:s17], [sflag:$0x3], $0x80, s21, s16, $0xb8;
	[tilespmem:$0x18A80] =	vst v63  }
0x46: {  	_ =	swait.ge [sflag:s14], $0x2800  }
0x47: {  	[sflag:s14] =	ssyncset.done $0x0  }
0x48: {  	s25 =	sadd.s32 $0xFC0, s25;
	[sflag:s14] =	ssyncadd.s32 $0xFFFFD800  }
0x49: {  	[tilespmem:s3], [sflag:$0x3] =	stream.linear.gather [hbm4b:s25+s3], $0x100, $0x38;
	[tilespmem:$0x18A80] =	vst v63  }
0x4a: {  	_ =	swait.ge [sflag:s14], $0x100  }
0x4b: {  	[sflag:s14] =	ssyncset.done $0x0  }
0x4c: {  	[sflag:s14] =	ssyncadd.s32 $0xFFFFFF00  }
0x4d: {  	[tilespmem:s17], [sflag:$0x1] =	stream.indirect.gather [hbm4b:s4+s16], $0x80, s3, s16, $0xb8;
	[tilespmem:$0x18A80] =	vst v63  }
0x4e: {  	_ =	swait.ge [sflag:s22], $0x2800  }
.Ltmp0:
0x4f: {  	[sflag:s22] =	ssyncset.done $0x0;
	(pc) =	sbr.rel @p1 .LBB2_2-.Ltmp0, $4  }
0x50: {  	[sflag:s22] =	ssyncadd.s32 $0xFFFFD800  }
0x51: {  	[spmem:s2] =	stream.indirect.scatter.add.f32 [tilespmem:s19], [sflag:$0x3], $0x80, s23, s16, $0xb8;
	[tilespmem:$0x18A80] =	vst v63  }
0x52: {  	_ =	swait.ge [sflag:s14], $0x2800  }
0x53: {  	s26 =	smov.u32 s30;
	s25 =	sadd.s32 s29, s12;
	[sflag:s14] =	ssyncset.done $0x0  }
0x54: {  	s26 =	sadd.s32 $0xFA0, s25;
	[sflag:s14] =	ssyncadd.s32 $0xFFFFD800  }
0x55: {  	[tilespmem:s18], [sflag:$0x3] =	stream.linear.gather [hbm4b:s26+s3], $0x100, $0x38;
	[tilespmem:$0x18A80] =	vst v63  }
0x56: {  	_ =	swait.ge [sflag:s14], $0x100  }
0x57: {  	[sflag:s14] =	ssyncset.done $0x0  }
0x58: {  	[sflag:s14] =	ssyncadd.s32 $0xFFFFFF00  }
0x59: {  	[tilespmem:s19], [sflag:$0x2] =	stream.indirect.gather [hbm4b:s4+s16], $0x80, s18, s16, $0xb8;
	[tilespmem:$0x18A80] =	vst v63  }
0x5a: {  	_ =	swait.ge [sflag:s20], $0x2800  }
0x5b: {  	[sflag:s20] =	ssyncset.done $0x0  }
0x5c: {  	[sflag:s20] =	ssyncadd.s32 $0xFFFFD800  }
0x5d: {  	[spmem:s2] =	stream.indirect.scatter.add.f32 [tilespmem:s17], [sflag:$0x3], $0x80, s21, s16, $0xb8;
	[tilespmem:$0x18A80] =	vst v63  }
0x5e: {  	_ =	swait.ge [sflag:s14], $0x2800  }
0x5f: {  	[sflag:s14] =	ssyncset.done $0x0  }
0x60: {  	s31 =	sadd.s32 $0xFC0, s25;
	[sflag:s14] =	ssyncadd.s32 $0xFFFFD800  }
0x61: {  	[tilespmem:s3], [sflag:$0x3] =	stream.linear.gather [hbm4b:s31+s3], $0x100, $0x38;
	[tilespmem:$0x18A80] =	vst v63  }
0x62: {  	_ =	swait.ge [sflag:s14], $0x100  }
0x63: {  	[sflag:s14] =	ssyncset.done $0x0  }
0x64: {  	[sflag:s14] =	ssyncadd.s32 $0xFFFFFF00  }
0x65: {  	[tilespmem:s17], [sflag:$0x1] =	stream.indirect.gather [hbm4b:s4+s16], $0x80, s3, s16, $0xb8;
	[tilespmem:$0x18A80] =	vst v63  }
0x66: {  	_ =	swait.ge [sflag:s22], $0x2800  }
0x67: {  	[sflag:s22] =	ssyncset.done $0x0  }
0x68: {  	[sflag:s22] =	ssyncadd.s32 $0xFFFFD800  }
0x69: {  	[spmem:s2] =	stream.indirect.scatter.add.f32 [tilespmem:s19], [sflag:$0x3], $0x80, s23, s16, $0xb8;
	[tilespmem:$0x18A80] =	vst v63  }
0x6a: {  	_ =	swait.ge [sflag:s14], $0x2800  }
0x6b: {  	[sflag:s14] =	ssyncset.done $0x0  }
0x6c: {  	[sflag:s14] =	ssyncadd.s32 $0xFFFFD800  }
0x6d: {  	_ =	swait.ge [sflag:s20], $0x2800  }
0x6e: {  	[sflag:s20] =	ssyncset.done $0x0  }
0x6f: {  	[sflag:s20] =	ssyncadd.s32 $0xFFFFD800  }
0x70: {  	[spmem:s2] =	stream.indirect.scatter.add.f32 [tilespmem:s17], [sflag:$0x3], $0x80, s21, s16, $0xb8;
	[tilespmem:$0x18A80] =	vst v63  }
0x71: {  	_ =	swait.ge [sflag:s14], $0x2800  }
0x72: {  	[sflag:s14] =	ssyncset.done $0x0  }
0x73: {  	[sflag:s14] =	ssyncadd.s32 $0xFFFFD800  }
0x74: {  	[bflag:$0x0] =	sbarrier.arrive $0xFFFF  }
0x75: {  	[hbm:s9], [sflag:s6] =	dma.local [spmem:s13], $0x2700  }
0x76: {  	s24 =	sadd.s32 $0x1, s24;
	_ =	swait.ge [sflag:s14], $0x2700  }
0x77: {  	p1 =	sne.s32 s24, s11;
	[sflag:s14] =	ssyncset.done $0x0  }
.Ltmp1:
0x78: {  	s25 =	simm.s32 @!p0 $0x3;
	[sflag:s14] =	ssyncadd.s32 $0xFFFFD900;
	(pc) =	sbr.rel @p1 .LBB2_1-.Ltmp1, $4  }
0x79: {  	[hbm:s10], [sflag:s6] =	dma.local @!p0 [spmem:s15], $0x100  }
0x7a: {  	_ =	swait.ge @!p0 [sflag:s25], $0x100  }
0x7b: {  	[sflag:s25] =	ssyncset.done @!p0 $0x0  }
0x7c: {  	[sflag:s25] =	ssyncadd.s32 @!p0 $0xFFFFFF00  }
0x7d: {  	_ =	sfence.sel $0x180000  }
0x7e: {  	[bflag:$0x0] =	sbarrier.arrive $0xFFFF  }
0x7f: {  	p0 =	sne.s32 s1, $0x0;
	_ =	strace $0x9000004D  }
0x80: {  	s0 =	sadd.s32 @!p0 $0x100000, s0;
	[bflag:$0x2] =	sbarrier.arrive $0xFFFF  }
0x81: {  	[sflag:s0] =	ssyncadd.tile.s32 @!p0 $0x1;
	_ =	shalt  }
.Lfunc_end2:
_tile_overlayer_lowered:
.L_overlay_start_2:
0x82: {  	(tag) =	ssettag $0x2  }
0x83: {  	s0 =	rddreg [dreg:$0x0];
	s2 =	stileid.u32  }
0x84: {  	s1 =	rddreg [dreg:$0x1];
	p0 =	sne.s32 s2, $0x0  }
0x85: {  	s3 =	rddreg [dreg:$0x2];
	[bflag:$0x3] =	sbarrier.arrive $0xFFFF;
	s2 =	simm.s32 @!p0 $0x1C03  }
0x86: {  	[timem:s3], [sflag:s2] =	dma.local @!p0 [hbm:s0], s1  }
0x87: {  	s0 =	simm.s32 @!p0 $0x3  }
0x88: {  	_ =	swait.ge @!p0 [sflag:s0], s1  }
0x89: {  	s1 =	ssub.s32 @!p0 $0x0, s1;
	[sflag:s0] =	ssyncset.done @!p0 $0x0  }
0x8a: {  	[sflag:s0] =	ssyncadd.s32 @!p0 s1  }
0x8b: {  	[bflag:$0x3] =	sbarrier.arrive $0xFFFF  }
0x8c: {  	_ =	shalt  }

</sc_bundles>
